<compile_context>
chip_gen: v7x
topology: tpu7x:2x2x1
jax: 0.10.2.dev20260603
libtpu: 0.0.44.dev20260713+nightly
codegen_flags: <defaults>
</compile_context>

<pallas_src>
import functools

import jax
import jax.numpy as jnp
from jax import lax
from jax.experimental import pallas as pl
from jax.experimental.pallas import tpu as pltpu
from jax.experimental.pallas import tpu_sc as plsc

_N_CAT = 26
_VOCAB = 100000
_DIM = 16
_N_REG = 4
_ENC = 64
_B = 1024
_L = 200
_NPLANE = _N_CAT * _DIM
_OUT_D = _ENC + _NPLANE + _N_REG
_NW = 32
_PPW = _NPLANE // _NW
_NLT = _L // 8


_FPC = _N_CAT // 2


def _sc_gather(tabT, idxT):
    mesh = plsc.VectorSubcoreMesh(core_axis_name="c", subcore_axis_name="s")

    @functools.partial(
        pl.kernel,
        out_type=jax.ShapeDtypeStruct((_OUT_D, _L, 1024), jnp.float32),
        mesh=mesh,
        scratch_types=[
            pltpu.VMEM((_VOCAB,), jnp.float32),
            pltpu.VMEM((8, 512), jnp.int32),
            pltpu.VMEM((8, 512), jnp.int32),
            pltpu.VMEM((8, 512), jnp.float32),
            pltpu.VMEM((8, 512), jnp.float32),
            pltpu.VMEM_SHARED((_L, 1024), jnp.int32),
            pltpu.SemaphoreType.DMA,
            pltpu.SemaphoreType.DMA,
            pltpu.SemaphoreType.DMA,
            pltpu.SemaphoreType.DMA,
            pltpu.SemaphoreType.DMA,
            pltpu.SemaphoreType.DMA,
        ],
        compiler_params=pltpu.CompilerParams(
            use_tc_tiling_on_sc=True, needs_layout_passes=False
        ),
    )
    def k(tab_hbm, idx_hbm, out_hbm, plane_v, ib0, ib1, vb0, vb1, stage_v,
          sp, si0, si1, so0, so1, ss):
        core = lax.axis_index("c")
        s = lax.axis_index("s")
        d = s

        def stage_start(fi):
            f = core * _FPC + fi
            pltpu.async_copy(
                idx_hbm.at[f, pl.ds(s * 8, 8), :],
                stage_v.at[pl.ds(s * 8, 8), :],
                ss,
            )

            @pl.when(s < _NLT - 16)
            def _():
                pltpu.async_copy(
                    idx_hbm.at[f, pl.ds((s + 16) * 8, 8), :],
                    stage_v.at[pl.ds((s + 16) * 8, 8), :],
                    ss,
                )

        def stage_wait():
            pltpu.make_async_copy(
                idx_hbm.at[0, pl.ds(0, 8), :],
                stage_v.at[pl.ds(0, 8), :],
                ss,
            ).wait()

            @pl.when(s < _NLT - 16)
            def _():
                pltpu.make_async_copy(
                    idx_hbm.at[0, pl.ds(0, 8), :],
                    stage_v.at[pl.ds(0, 8), :],
                    ss,
                ).wait()

        def gather_chunk(ib, vb):
            lag = 3

            @pl.loop(0, 8)
            def _(r):
                g = []
                for j in range(512 // 16):
                    iv = ib[r, pl.ds(j * 16, 16)]
                    g.append(plsc.load_gather(plane_v, [iv]))
                    if j >= lag:
                        vb[r, pl.ds((j - lag) * 16, 16)] = g[j - lag]
                for j in range(512 // 16 - lag, 512 // 16):
                    vb[r, pl.ds(j * 16, 16)] = g[j]

        def idx_src(lt, h):
            return stage_v.at[pl.ds(lt * 8, 8), pl.ds(h * 512, 512)]

        def wait_idx(ib, si):
            pltpu.make_async_copy(idx_src(0, 0), ib, si).wait()

        def wait_out(vb, so):
            pltpu.make_async_copy(
                out_hbm.at[0, pl.ds(0, 8), pl.ds(0, 512)], vb, so
            ).wait()

        @pl.loop(0, _FPC)
        def _(fi):
            f = core * _FPC + fi
            c = _ENC + f * _DIM + d
            stage_start(fi)
            pltpu.async_copy(tab_hbm.at[f, d, :], plane_v, sp)
            stage_wait()
            plsc.subcore_barrier()
            pltpu.make_async_copy(tab_hbm.at[0, 0, :], plane_v, sp).wait()
            pltpu.async_copy(idx_src(0, 0), ib0, si0)

            @pl.loop(0, _NLT)
            def _(lt):
                wait_idx(ib0, si0)
                pltpu.async_copy(idx_src(lt, 1), ib1, si1)

                @pl.when(lt > 0)
                def _():
                    wait_out(vb0, so0)

                gather_chunk(ib0, vb0)
                pltpu.async_copy(
                    vb0,
                    out_hbm.at[c, pl.ds(lt * 8, 8), pl.ds(0, 512)],
                    so0,
                )
                wait_idx(ib1, si1)
                nlt = jnp.minimum(lt + 1, _NLT - 1)
                pltpu.async_copy(idx_src(nlt, 0), ib0, si0)

                @pl.when(lt > 0)
                def _():
                    wait_out(vb1, so1)

                gather_chunk(ib1, vb1)
                pltpu.async_copy(
                    vb1,
                    out_hbm.at[c, pl.ds(lt * 8, 8), pl.ds(512, 512)],
                    so1,
                )

            wait_idx(ib0, si0)
            wait_out(vb0, so0)
            wait_out(vb1, so1)
            plsc.subcore_barrier()

    return k(tabT, idxT)


def _tc_fill_base(outP, baseT):

    def body(b_ref, o_ref, out_ref):
        del o_ref
        out_ref[...] = jnp.transpose(b_ref[...], (1, 0, 2))

    return pl.pallas_call(
        body,
        grid=(_NLT,),
        in_specs=[
            pl.BlockSpec((8, _ENC, 1024), lambda i: (i, 0, 0)),
            pl.BlockSpec((_ENC, 8, 1024), lambda i: (0, i, 0)),
        ],
        out_specs=pl.BlockSpec((_ENC, 8, 1024), lambda i: (0, i, 0)),
        out_shape=jax.ShapeDtypeStruct((_OUT_D, _L, 1024), jnp.float32),
        input_output_aliases={1: 0},
    )(baseT, outP)


def _tc_fill_reg(outP, regT):

    def body(r_ref, o_ref, out_ref):
        del o_ref
        out_ref[...] = jnp.transpose(r_ref[...], (1, 0, 2))

    c0 = (_ENC + _NPLANE) // 4

    return pl.pallas_call(
        body,
        grid=(_NLT,),
        in_specs=[
            pl.BlockSpec((8, _N_REG, 1024), lambda i: (i, 0, 0)),
            pl.BlockSpec((_N_REG, 8, 1024), lambda i: (c0, i, 0)),
        ],
        out_specs=pl.BlockSpec((_N_REG, 8, 1024), lambda i: (c0, i, 0)),
        out_shape=jax.ShapeDtypeStruct((_OUT_D, _L, 1024), jnp.float32),
        input_output_aliases={1: 0},
    )(regT, outP)


def kernel(cat_indices, reg_feats, base_out, tables):
    tabT = jnp.transpose(tables, (0, 2, 1))
    idxT = jnp.transpose(cat_indices, (2, 1, 0))
    baseT = jnp.transpose(base_out, (1, 2, 0))
    regT = jnp.transpose(reg_feats, (1, 2, 0))
    outP = _sc_gather(tabT, idxT)
    outP = _tc_fill_base(outP, baseT)
    outP = _tc_fill_reg(outP, regT)
    return jnp.transpose(outP, (2, 1, 0))

# --- scband reference (transcript-rebuilt; emitter-appended) ---
"""Pipeline reference for scband-feature-encoder-89678917141335 (READ-ONLY COPY).

The authoritative reference and input builder live on the scoring server;
editing this copy changes nothing except your own understanding.
"""

import jax, jax.numpy as jnp
import numpy as np

N_CAT = 26
VOCAB = 100000
DIM = 16
N_REG = 4
ENC_DIM = 64
B = 1024
L = 200

def setup_inputs(seed: int = 0) -> dict:
    key = jax.random.key(seed)
    k1, k2, k3, k4 = jax.random.split(key, 4)
    cat_indices = jax.random.randint(k1, (B, L, N_CAT), 0, VOCAB, dtype=jnp.int64 if jax.config.jax_enable_x64 else jnp.int32).astype(jnp.int32)
    reg_feats = jax.random.normal(k2, (B, L, N_REG), dtype=jnp.float32)
    base_out = jax.random.normal(k3, (B, L, ENC_DIM), dtype=jnp.float32)
    tables = jax.random.normal(k4, (N_CAT, VOCAB, DIM), dtype=jnp.float32) * 0.02
    # padding_idx=0 rows are zero, as in nn.Embedding(padding_idx=0)
    tables = tables.at[:, 0, :].set(0.0)
    return {"cat_indices": cat_indices, "reg_feats": reg_feats, "base_out": base_out, "tables": tables}

def reference(cat_indices, reg_feats, base_out, tables):
    # Per-feature embedding lookup (NoisyEmbedding in eval mode: no noise, no dropout)
    # tables: [F, VOCAB, DIM], cat_indices: [B, L, F]
    emb = jax.vmap(lambda tab, idx: jnp.take(tab, idx, axis=0), in_axes=(0, 2))(tables, cat_indices)  # [F, B, L, DIM]
    emb = jnp.moveaxis(emb, 0, 2).reshape(emb.shape[1], emb.shape[2], N_CAT * DIM)  # [B, L, F*DIM]
    # concat order matches torch forward: [encoder_out, cat_embeddings, reg_features]
    out = jnp.concatenate([base_out, emb, reg_feats], axis=-1)
    return out

if __name__ == "__main__":
    import jax
    _d = setup_inputs()
    print(jax.jit(kernel)(*tuple(_d.values())))

</pallas_src>

<mosaic_0001>
#map = affine_map<(d0, d1) -> (0, 0, 0)>
module attributes {stable_mosaic.version = 14 : i64} {
  func.func @k(%arg0: i32, %arg1: i32, %arg2: memref<26x16x100000xf32, #tpu.memory_space<hbm>>, %arg3: memref<26x200x1024xi32, #tpu.memory_space<hbm>>, %arg4: memref<484x200x1024xf32, #tpu.memory_space<hbm>>, %arg5: memref<100000xf32, #tpu.memory_space<vmem>>, %arg6: memref<8x512xi32, #tpu.memory_space<vmem>>, %arg7: memref<8x512xi32, #tpu.memory_space<vmem>>, %arg8: memref<8x512xf32, #tpu.memory_space<vmem>>, %arg9: memref<8x512xf32, #tpu.memory_space<vmem>>, %arg10: memref<200x1024xi32, #tpu.memory_space<vmem_shared>>, %arg11: memref<!tpu.dma_semaphore, #tpu.memory_space<semaphore_mem>>, %arg12: memref<!tpu.dma_semaphore, #tpu.memory_space<semaphore_mem>>, %arg13: memref<!tpu.dma_semaphore, #tpu.memory_space<semaphore_mem>>, %arg14: memref<!tpu.dma_semaphore, #tpu.memory_space<semaphore_mem>>, %arg15: memref<!tpu.dma_semaphore, #tpu.memory_space<semaphore_mem>>, %arg16: memref<!tpu.dma_semaphore, #tpu.memory_space<semaphore_mem>>) attributes {dimension_semantics = [#tpu.dimension_semantics<core_parallel>, #tpu.dimension_semantics<subcore_parallel>], iteration_bounds = array<i64: 2, 16>, scalar_prefetch = 0 : i64, scratch_operands = 12 : i64, tpu.core_type = #tpu.core_type<sc_vector_subcore>, window_params = [{transform_indices = #map}, {transform_indices = #map}, {transform_indices = #map}]} {
    %scan3A = arith.constant 0 : i32
    %scan3A_0 = arith.constant 13 : i32
    %scan3A_1 = arith.addi %scan3A, %scan3A_0 : i32
    %scan3A_2 = arith.constant 1 : i32
    scf.for %scan3A_4 = %scan3A to %scan3A_1 step %scan3A_2  : i32 {
      %mul3A = arith.constant 1 : i32
      %mul3A_5 = arith.muli %scan3A_4, %mul3A : i32
      %add3A = arith.constant 0 : i32
      %add3A_6 = arith.addi %add3A, %mul3A_5 : i32
      %mul3A_7 = arith.constant 13 : i32
      %mul3A_8 = arith.muli %arg0, %mul3A_7 : i32
      %add3A_9 = arith.addi %mul3A_8, %add3A_6 : i32
      %mul3A_10 = arith.constant 16 : i32
      %mul3A_11 = arith.muli %add3A_9, %mul3A_10 : i32
      %add3A_12 = arith.constant 64 : i32
      %add3A_13 = arith.addi %add3A_12, %mul3A_11 : i32
      %add3A_14 = arith.addi %add3A_13, %arg1 : i32
      %mul3A_15 = arith.constant 13 : i32
      %mul3A_16 = arith.muli %arg0, %mul3A_15 : i32
      %add3A_17 = arith.addi %mul3A_16, %add3A_6 : i32
      %mul3A_18 = arith.constant 8 : i32
      %mul3A_19 = arith.muli %arg1, %mul3A_18 : i32
      %mul3A_20 = arith.constant 8 : i32
      %mul3A_21 = arith.muli %arg1, %mul3A_20 : i32
      %dma_start3A = arith.constant 0 : i32
      %dma_start3A_22 = tpu.memref_slice %arg10[%mul3A_21, %dma_start3A] : memref<200x1024xi32, #tpu.memory_space<vmem_shared>> -> memref<8x1024xi32, #tpu.memory_space<vmem_shared>>
      %dma_start3A_23 = arith.constant 0 : i32
      %dma_start3A_24 = tpu.memref_slice %arg3[%add3A_17, %mul3A_19, %dma_start3A_23] : memref<26x200x1024xi32, #tpu.memory_space<hbm>> -> memref<1x8x1024xi32, #tpu.memory_space<hbm>>
      %dma_start3A_25 = tpu.memref_squeeze %dma_start3A_24 : memref<1x8x1024xi32, #tpu.memory_space<hbm>> -> memref<8x1024xi32, #tpu.memory_space<hbm>>
      tpu.enqueue_dma source(%dma_start3A_25 : memref<8x1024xi32, #tpu.memory_space<hbm>>) target(%dma_start3A_22 : memref<8x1024xi32, #tpu.memory_space<vmem_shared>>) target_semaphore(%arg16 : memref<!tpu.dma_semaphore, #tpu.memory_space<semaphore_mem>>)
      %lt3A = arith.constant 9 : i32
      %lt3A_26 = arith.cmpi slt, %arg1, %lt3A : i32
      %convert_element_type3A = arith.extui %lt3A_26 : i1 to i32
      %cond3A = arith.constant 0 : i32
      %cond3A_27 = arith.cmpi ne, %convert_element_type3A, %cond3A : i32
      scf.if %cond3A_27 {
        %add3A_90 = arith.constant 16 : i32
        %add3A_91 = arith.addi %arg1, %add3A_90 : i32
        %mul3A_92 = arith.constant 8 : i32
        %mul3A_93 = arith.muli %add3A_91, %mul3A_92 : i32
        %add3A_94 = arith.constant 16 : i32
        %add3A_95 = arith.addi %arg1, %add3A_94 : i32
        %mul3A_96 = arith.constant 8 : i32
        %mul3A_97 = arith.muli %add3A_95, %mul3A_96 : i32
        %dma_start3A_98 = arith.constant 0 : i32
        %dma_start3A_99 = tpu.memref_slice %arg10[%mul3A_97, %dma_start3A_98] : memref<200x1024xi32, #tpu.memory_space<vmem_shared>> -> memref<8x1024xi32, #tpu.memory_space<vmem_shared>>
        %dma_start3A_100 = arith.constant 0 : i32
        %dma_start3A_101 = tpu.memref_slice %arg3[%add3A_17, %mul3A_93, %dma_start3A_100] : memref<26x200x1024xi32, #tpu.memory_space<hbm>> -> memref<1x8x1024xi32, #tpu.memory_space<hbm>>
        %dma_start3A_102 = tpu.memref_squeeze %dma_start3A_101 : memref<1x8x1024xi32, #tpu.memory_space<hbm>> -> memref<8x1024xi32, #tpu.memory_space<hbm>>
        tpu.enqueue_dma source(%dma_start3A_102 : memref<8x1024xi32, #tpu.memory_space<hbm>>) target(%dma_start3A_99 : memref<8x1024xi32, #tpu.memory_space<vmem_shared>>) target_semaphore(%arg16 : memref<!tpu.dma_semaphore, #tpu.memory_space<semaphore_mem>>)
      } else {
      }
      %dma_start3A_28 = arith.constant 0 : i32
      %dma_start3A_29 = tpu.memref_slice %arg2[%add3A_9, %arg1, %dma_start3A_28] : memref<26x16x100000xf32, #tpu.memory_space<hbm>> -> memref<1x1x100000xf32, #tpu.memory_space<hbm>>
      %dma_start3A_30 = tpu.memref_squeeze %dma_start3A_29 : memref<1x1x100000xf32, #tpu.memory_space<hbm>> -> memref<100000xf32, #tpu.memory_space<hbm>>
      %dma_start3A_31 = arith.constant 0 : i32
      %dma_start3A_32 = tpu.memref_slice %arg2[%add3A_9, %arg1, %dma_start3A_31] : memref<26x16x100000xf32, #tpu.memory_space<hbm>> -> memref<1x1x100000xf32, #tpu.memory_space<hbm>>
      %dma_start3A_33 = tpu.memref_squeeze %dma_start3A_32 : memref<1x1x100000xf32, #tpu.memory_space<hbm>> -> memref<100000xf32, #tpu.memory_space<hbm>>
      tpu.enqueue_dma source(%dma_start3A_33 : memref<100000xf32, #tpu.memory_space<hbm>>) target(%arg5 : memref<100000xf32, #tpu.memory_space<vmem>>) target_semaphore(%arg11 : memref<!tpu.dma_semaphore, #tpu.memory_space<semaphore_mem>>)
      %dma_wait3A = arith.constant 0 : i32
      %dma_wait3A_34 = arith.constant 0 : i32
      %dma_wait3A_35 = arith.constant 0 : i32
      %dma_wait3A_36 = tpu.memref_slice %arg10[%dma_wait3A_34, %dma_wait3A_35] : memref<200x1024xi32, #tpu.memory_space<vmem_shared>> -> memref<8x1024xi32, #tpu.memory_space<vmem_shared>>
      %dma_wait3A_37 = arith.constant 0 : i32
      %dma_wait3A_38 = arith.constant 0 : i32
      %dma_wait3A_39 = tpu.memref_slice %arg3[%dma_wait3A, %dma_wait3A_37, %dma_wait3A_38] : memref<26x200x1024xi32, #tpu.memory_space<hbm>> -> memref<1x8x1024xi32, #tpu.memory_space<hbm>>
      %dma_wait3A_40 = tpu.memref_squeeze %dma_wait3A_39 : memref<1x8x1024xi32, #tpu.memory_space<hbm>> -> memref<8x1024xi32, #tpu.memory_space<hbm>>
      tpu.wait_dma2 semaphore(%arg16 : memref<!tpu.dma_semaphore, #tpu.memory_space<semaphore_mem>>) src(%dma_wait3A_40 : memref<8x1024xi32, #tpu.memory_space<hbm>>) dst(%dma_wait3A_36 : memref<8x1024xi32, #tpu.memory_space<vmem_shared>>)
      %lt3A_41 = arith.constant 9 : i32
      %lt3A_42 = arith.cmpi slt, %arg1, %lt3A_41 : i32
      %convert_element_type3A_43 = arith.extui %lt3A_42 : i1 to i32
      %cond3A_44 = arith.constant 0 : i32
      %cond3A_45 = arith.cmpi ne, %convert_element_type3A_43, %cond3A_44 : i32
      scf.if %cond3A_45 {
        %dma_wait3A_90 = arith.constant 0 : i32
        %dma_wait3A_91 = arith.constant 0 : i32
        %dma_wait3A_92 = arith.constant 0 : i32
        %dma_wait3A_93 = tpu.memref_slice %arg10[%dma_wait3A_91, %dma_wait3A_92] : memref<200x1024xi32, #tpu.memory_space<vmem_shared>> -> memref<8x1024xi32, #tpu.memory_space<vmem_shared>>
        %dma_wait3A_94 = arith.constant 0 : i32
        %dma_wait3A_95 = arith.constant 0 : i32
        %dma_wait3A_96 = tpu.memref_slice %arg3[%dma_wait3A_90, %dma_wait3A_94, %dma_wait3A_95] : memref<26x200x1024xi32, #tpu.memory_space<hbm>> -> memref<1x8x1024xi32, #tpu.memory_space<hbm>>
        %dma_wait3A_97 = tpu.memref_squeeze %dma_wait3A_96 : memref<1x8x1024xi32, #tpu.memory_space<hbm>> -> memref<8x1024xi32, #tpu.memory_space<hbm>>
        tpu.wait_dma2 semaphore(%arg16 : memref<!tpu.dma_semaphore, #tpu.memory_space<semaphore_mem>>) src(%dma_wait3A_97 : memref<8x1024xi32, #tpu.memory_space<hbm>>) dst(%dma_wait3A_93 : memref<8x1024xi32, #tpu.memory_space<vmem_shared>>)
      } else {
      }
      %barrier3A = arith.constant 0 : index
      tpu.barrier barrier_id(%barrier3A)
      %dma_wait3A_46 = arith.constant 0 : i32
      %dma_wait3A_47 = arith.constant 0 : i32
      %dma_wait3A_48 = arith.constant 0 : i32
      %dma_wait3A_49 = tpu.memref_slice %arg2[%dma_wait3A_46, %dma_wait3A_47, %dma_wait3A_48] : memref<26x16x100000xf32, #tpu.memory_space<hbm>> -> memref<1x1x100000xf32, #tpu.memory_space<hbm>>
      %dma_wait3A_50 = tpu.memref_squeeze %dma_wait3A_49 : memref<1x1x100000xf32, #tpu.memory_space<hbm>> -> memref<100000xf32, #tpu.memory_space<hbm>>
      %dma_wait3A_51 = arith.constant 0 : i32
      %dma_wait3A_52 = tpu.memref_slice %arg2[%dma_wait3A_46, %dma_wait3A_47, %dma_wait3A_51] : memref<26x16x100000xf32, #tpu.memory_space<hbm>> -> memref<1x1x100000xf32, #tpu.memory_space<hbm>>
      %dma_wait3A_53 = tpu.memref_squeeze %dma_wait3A_52 : memref<1x1x100000xf32, #tpu.memory_space<hbm>> -> memref<100000xf32, #tpu.memory_space<hbm>>
      tpu.wait_dma2 semaphore(%arg11 : memref<!tpu.dma_semaphore, #tpu.memory_space<semaphore_mem>>) src(%dma_wait3A_53 : memref<100000xf32, #tpu.memory_space<hbm>>) dst(%arg5 : memref<100000xf32, #tpu.memory_space<vmem>>)
      %dma_start3A_54 = arith.constant 0 : i32
      %dma_start3A_55 = arith.constant 0 : i32
      %dma_start3A_56 = tpu.memref_slice %arg10[%dma_start3A_54, %dma_start3A_55] : memref<200x1024xi32, #tpu.memory_space<vmem_shared>> -> memref<8x512xi32, #tpu.memory_space<vmem_shared>>
      %dma_start3A_57 = arith.constant 0 : i32
      %dma_start3A_58 = arith.constant 0 : i32
      %dma_start3A_59 = tpu.memref_slice %arg10[%dma_start3A_57, %dma_start3A_58] : memref<200x1024xi32, #tpu.memory_space<vmem_shared>> -> memref<8x512xi32, #tpu.memory_space<vmem_shared>>
      tpu.enqueue_dma source(%dma_start3A_59 : memref<8x512xi32, #tpu.memory_space<vmem_shared>>) target(%arg6 : memref<8x512xi32, #tpu.memory_space<vmem>>) target_semaphore(%arg12 : memref<!tpu.dma_semaphore, #tpu.memory_space<semaphore_mem>>)
      %scan3A_60 = arith.constant 0 : i32
      %scan3A_61 = arith.constant 25 : i32
      %scan3A_62 = arith.addi %scan3A_60, %scan3A_61 : i32
      %scan3A_63 = arith.constant 1 : i32
      scf.for %scan3A_90 = %scan3A_60 to %scan3A_62 step %scan3A_63  : i32 {
        %mul3A_91 = arith.constant 1 : i32
        %mul3A_92 = arith.muli %scan3A_90, %mul3A_91 : i32
        %add3A_93 = arith.constant 0 : i32
        %add3A_94 = arith.addi %add3A_93, %mul3A_92 : i32
        %dma_wait3A_95 = arith.constant 0 : i32
        %dma_wait3A_96 = arith.constant 0 : i32
        %dma_wait3A_97 = tpu.memref_slice %arg10[%dma_wait3A_95, %dma_wait3A_96] : memref<200x1024xi32, #tpu.memory_space<vmem_shared>> -> memref<8x512xi32, #tpu.memory_space<vmem_shared>>
        %dma_wait3A_98 = arith.constant 0 : i32
        %dma_wait3A_99 = arith.constant 0 : i32
        %dma_wait3A_100 = tpu.memref_slice %arg10[%dma_wait3A_98, %dma_wait3A_99] : memref<200x1024xi32, #tpu.memory_space<vmem_shared>> -> memref<8x512xi32, #tpu.memory_space<vmem_shared>>
        tpu.wait_dma2 semaphore(%arg12 : memref<!tpu.dma_semaphore, #tpu.memory_space<semaphore_mem>>) src(%dma_wait3A_100 : memref<8x512xi32, #tpu.memory_space<vmem_shared>>) dst(%arg6 : memref<8x512xi32, #tpu.memory_space<vmem>>)
        %mul3A_101 = arith.constant 8 : i32
        %mul3A_102 = arith.muli %add3A_94, %mul3A_101 : i32
        %dma_start3A_103 = arith.constant 512 : i32
        %dma_start3A_104 = tpu.memref_slice %arg10[%mul3A_102, %dma_start3A_103] : memref<200x1024xi32, #tpu.memory_space<vmem_shared>> -> memref<8x512xi32, #tpu.memory_space<vmem_shared>>
        %dma_start3A_105 = arith.constant 512 : i32
        %dma_start3A_106 = tpu.memref_slice %arg10[%mul3A_102, %dma_start3A_105] : memref<200x1024xi32, #tpu.memory_space<vmem_shared>> -> memref<8x512xi32, #tpu.memory_space<vmem_shared>>
        tpu.enqueue_dma source(%dma_start3A_106 : memref<8x512xi32, #tpu.memory_space<vmem_shared>>) target(%arg7 : memref<8x512xi32, #tpu.memory_space<vmem>>) target_semaphore(%arg13 : memref<!tpu.dma_semaphore, #tpu.memory_space<semaphore_mem>>)
        %gt3A = arith.constant 0 : i32
        %gt3A_107 = arith.cmpi sgt, %add3A_94, %gt3A : i32
        %convert_element_type3A_108 = arith.extui %gt3A_107 : i1 to i32
        %cond3A_109 = arith.constant 0 : i32
        %cond3A_110 = arith.cmpi ne, %convert_element_type3A_108, %cond3A_109 : i32
        scf.if %cond3A_110 {
          %dma_wait3A_157 = arith.constant 0 : i32
          %dma_wait3A_158 = arith.constant 0 : i32
          %dma_wait3A_159 = arith.constant 0 : i32
          %dma_wait3A_160 = tpu.memref_slice %arg4[%dma_wait3A_157, %dma_wait3A_158, %dma_wait3A_159] : memref<484x200x1024xf32, #tpu.memory_space<hbm>> -> memref<1x8x512xf32, #tpu.memory_space<hbm>>
          %dma_wait3A_161 = tpu.memref_squeeze %dma_wait3A_160 : memref<1x8x512xf32, #tpu.memory_space<hbm>> -> memref<8x512xf32, #tpu.memory_space<hbm>>
          %dma_wait3A_162 = arith.constant 0 : i32
          %dma_wait3A_163 = arith.constant 0 : i32
          %dma_wait3A_164 = tpu.memref_slice %arg4[%dma_wait3A_157, %dma_wait3A_162, %dma_wait3A_163] : memref<484x200x1024xf32, #tpu.memory_space<hbm>> -> memref<1x8x512xf32, #tpu.memory_space<hbm>>
          %dma_wait3A_165 = tpu.memref_squeeze %dma_wait3A_164 : memref<1x8x512xf32, #tpu.memory_space<hbm>> -> memref<8x512xf32, #tpu.memory_space<hbm>>
          tpu.wait_dma2 semaphore(%arg14 : memref<!tpu.dma_semaphore, #tpu.memory_space<semaphore_mem>>) src(%dma_wait3A_165 : memref<8x512xf32, #tpu.memory_space<hbm>>) dst(%arg8 : memref<8x512xf32, #tpu.memory_space<vmem>>)
        } else {
        }
        %scan3A_111 = arith.constant 0 : i32
        %scan3A_112 = arith.constant 8 : i32
        %scan3A_113 = arith.addi %scan3A_111, %scan3A_112 : i32
        %scan3A_114 = arith.constant 1 : i32
        scf.for %scan3A_157 = %scan3A_111 to %scan3A_113 step %scan3A_114  : i32 {
          %mul3A_158 = arith.constant 1 : i32
          %mul3A_159 = arith.muli %scan3A_157, %mul3A_158 : i32
          %add3A_160 = arith.constant 0 : i32
          %add3A_161 = arith.addi %add3A_160, %mul3A_159 : i32
          %get3A = arith.index_cast %add3A_161 : i32 to index
          %get3A_162 = arith.constant 0 : index
          %get3A_163 = tpu.vector_load %arg6[%get3A, %get3A_162] {strides = array<i32>} : memref<8x512xi32, #tpu.memory_space<vmem>>, vector<16xi32>,
          %gather3A = tpu.vector_load_idx %arg5[%get3A_163] : memref<100000xf32, #tpu.memory_space<vmem>>[vector<16xi32>], vector<16xf32>,
          %get3A_164 = arith.index_cast %add3A_161 : i32 to index
          %get3A_165 = arith.constant 16 : index
          %get3A_166 = tpu.vector_load %arg6[%get3A_164, %get3A_165] {strides = array<i32>} : memref<8x512xi32, #tpu.memory_space<vmem>>, vector<16xi32>,
          %gather3A_167 = tpu.vector_load_idx %arg5[%get3A_166] : memref<100000xf32, #tpu.memory_space<vmem>>[vector<16xi32>], vector<16xf32>,
          %get3A_168 = arith.index_cast %add3A_161 : i32 to index
          %get3A_169 = arith.constant 32 : index
          %get3A_170 = tpu.vector_load %arg6[%get3A_168, %get3A_169] {strides = array<i32>} : memref<8x512xi32, #tpu.memory_space<vmem>>, vector<16xi32>,
          %gather3A_171 = tpu.vector_load_idx %arg5[%get3A_170] : memref<100000xf32, #tpu.memory_space<vmem>>[vector<16xi32>], vector<16xf32>,
          %get3A_172 = arith.index_cast %add3A_161 : i32 to index
          %get3A_173 = arith.constant 48 : index
          %get3A_174 = tpu.vector_load %arg6[%get3A_172, %get3A_173] {strides = array<i32>} : memref<8x512xi32, #tpu.memory_space<vmem>>, vector<16xi32>,
          %gather3A_175 = tpu.vector_load_idx %arg5[%get3A_174] : memref<100000xf32, #tpu.memory_space<vmem>>[vector<16xi32>], vector<16xf32>,
          %swap3A = arith.index_cast %add3A_161 : i32 to index
          %swap3A_176 = arith.constant 0 : index
          %swap3A_177 = tpu.vector_load %arg8[%swap3A, %swap3A_176] {strides = array<i32>} : memref<8x512xf32, #tpu.memory_space<vmem>>, vector<16xf32>,
          tpu.vector_store %arg8[%swap3A, %swap3A_176], %gather3A {strides = array<i32>} : memref<8x512xf32, #tpu.memory_space<vmem>>, vector<16xf32>,
          %get3A_178 = arith.index_cast %add3A_161 : i32 to index
          %get3A_179 = arith.constant 64 : index
          %get3A_180 = tpu.vector_load %arg6[%get3A_178, %get3A_179] {strides = array<i32>} : memref<8x512xi32, #tpu.memory_space<vmem>>, vector<16xi32>,
          %gather3A_181 = tpu.vector_load_idx %arg5[%get3A_180] : memref<100000xf32, #tpu.memory_space<vmem>>[vector<16xi32>], vector<16xf32>,
          %swap3A_182 = arith.index_cast %add3A_161 : i32 to index
          %swap3A_183 = arith.constant 16 : index
          %swap3A_184 = tpu.vector_load %arg8[%swap3A_182, %swap3A_183] {strides = array<i32>} : memref<8x512xf32, #tpu.memory_space<vmem>>, vector<16xf32>,
          tpu.vector_store %arg8[%swap3A_182, %swap3A_183], %gather3A_167 {strides = array<i32>} : memref<8x512xf32, #tpu.memory_space<vmem>>, vector<16xf32>,
          %get3A_185 = arith.index_cast %add3A_161 : i32 to index
          %get3A_186 = arith.constant 80 : index
          %get3A_187 = tpu.vector_load %arg6[%get3A_185, %get3A_186] {strides = array<i32>} : memref<8x512xi32, #tpu.memory_space<vmem>>, vector<16xi32>,
          %gather3A_188 = tpu.vector_load_idx %arg5[%get3A_187] : memref<100000xf32, #tpu.memory_space<vmem>>[vector<16xi32>], vector<16xf32>,
          %swap3A_189 = arith.index_cast %add3A_161 : i32 to index
          %swap3A_190 = arith.constant 32 : index
          %swap3A_191 = tpu.vector_load %arg8[%swap3A_189, %swap3A_190] {strides = array<i32>} : memref<8x512xf32, #tpu.memory_space<vmem>>, vector<16xf32>,
          tpu.vector_store %arg8[%swap3A_189, %swap3A_190], %gather3A_171 {strides = array<i32>} : memref<8x512xf32, #tpu.memory_space<vmem>>, vector<16xf32>,
          %get3A_192 = arith.index_cast %add3A_161 : i32 to index
          %get3A_193 = arith.constant 96 : index
          %get3A_194 = tpu.vector_load %arg6[%get3A_192, %get3A_193] {strides = array<i32>} : memref<8x512xi32, #tpu.memory_space<vmem>>, vector<16xi32>,
          %gather3A_195 = tpu.vector_load_idx %arg5[%get3A_194] : memref<100000xf32, #tpu.memory_space<vmem>>[vector<16xi32>], vector<16xf32>,
          %swap3A_196 = arith.index_cast %add3A_161 : i32 to index
          %swap3A_197 = arith.constant 48 : index
          %swap3A_198 = tpu.vector_load %arg8[%swap3A_196, %swap3A_197] {strides = array<i32>} : memref<8x512xf32, #tpu.memory_space<vmem>>, vector<16xf32>,
          tpu.vector_store %arg8[%swap3A_196, %swap3A_197], %gather3A_175 {strides = array<i32>} : memref<8x512xf32, #tpu.memory_space<vmem>>, vector<16xf32>,
          %get3A_199 = arith.index_cast %add3A_161 : i32 to index
          %get3A_200 = arith.constant 112 : index
          %get3A_201 = tpu.vector_load %arg6[%get3A_199, %get3A_200] {strides = array<i32>} : memref<8x512xi32, #tpu.memory_space<vmem>>, vector<16xi32>,
          %gather3A_202 = tpu.vector_load_idx %arg5[%get3A_201] : memref<100000xf32, #tpu.memory_space<vmem>>[vector<16xi32>], vector<16xf32>,
          %swap3A_203 = arith.index_cast %add3A_161 : i32 to index
          %swap3A_204 = arith.constant 64 : index
          %swap3A_205 = tpu.vector_load %arg8[%swap3A_203, %swap3A_204] {strides = array<i32>} : memref<8x512xf32, #tpu.memory_space<vmem>>, vector<16xf32>,
          tpu.vector_store %arg8[%swap3A_203, %swap3A_204], %gather3A_181 {strides = array<i32>} : memref<8x512xf32, #tpu.memory_space<vmem>>, vector<16xf32>,
          %get3A_206 = arith.index_cast %add3A_161 : i32 to index
          %get3A_207 = arith.constant 128 : index
          %get3A_208 = tpu.vector_load %arg6[%get3A_206, %get3A_207] {strides = array<i32>} : memref<8x512xi32, #tpu.memory_space<vmem>>, vector<16xi32>,
          %gather3A_209 = tpu.vector_load_idx %arg5[%get3A_208] : memref<100000xf32, #tpu.memory_space<vmem>>[vector<16xi32>], vector<16xf32>,
          %swap3A_210 = arith.index_cast %add3A_161 : i32 to index
          %swap3A_211 = arith.constant 80 : index
          %swap3A_212 = tpu.vector_load %arg8[%swap3A_210, %swap3A_211] {strides = array<i32>} : memref<8x512xf32, #tpu.memory_space<vmem>>, vector<16xf32>,
          tpu.vector_store %arg8[%swap3A_210, %swap3A_211], %gather3A_188 {strides = array<i32>} : memref<8x512xf32, #tpu.memory_space<vmem>>, vector<16xf32>,
          %get3A_213 = arith.index_cast %add3A_161 : i32 to index
          %get3A_214 = arith.constant 144 : index
          %get3A_215 = tpu.vector_load %arg6[%get3A_213, %get3A_214] {strides = array<i32>} : memref<8x512xi32, #tpu.memory_space<vmem>>, vector<16xi32>,
          %gather3A_216 = tpu.vector_load_idx %arg5[%get3A_215] : memref<100000xf32, #tpu.memory_space<vmem>>[vector<16xi32>], vector<16xf32>,
          %swap3A_217 = arith.index_cast %add3A_161 : i32 to index
          %swap3A_218 = arith.constant 96 : index
          %swap3A_219 = tpu.vector_load %arg8[%swap3A_217, %swap3A_218] {strides = array<i32>} : memref<8x512xf32, #tpu.memory_space<vmem>>, vector<16xf32>,
          tpu.vector_store %arg8[%swap3A_217, %swap3A_218], %gather3A_195 {strides = array<i32>} : memref<8x512xf32, #tpu.memory_space<vmem>>, vector<16xf32>,
          %get3A_220 = arith.index_cast %add3A_161 : i32 to index
          %get3A_221 = arith.constant 160 : index
          %get3A_222 = tpu.vector_load %arg6[%get3A_220, %get3A_221] {strides = array<i32>} : memref<8x512xi32, #tpu.memory_space<vmem>>, vector<16xi32>,
          %gather3A_223 = tpu.vector_load_idx %arg5[%get3A_222] : memref<100000xf32, #tpu.memory_space<vmem>>[vector<16xi32>], vector<16xf32>,
          %swap3A_224 = arith.index_cast %add3A_161 : i32 to index
          %swap3A_225 = arith.constant 112 : index
          %swap3A_226 = tpu.vector_load %arg8[%swap3A_224, %swap3A_225] {strides = array<i32>} : memref<8x512xf32, #tpu.memory_space<vmem>>, vector<16xf32>,
          tpu.vector_store %arg8[%swap3A_224, %swap3A_225], %gather3A_202 {strides = array<i32>} : memref<8x512xf32, #tpu.memory_space<vmem>>, vector<16xf32>,
          %get3A_227 = arith.index_cast %add3A_161 : i32 to index
          %get3A_228 = arith.constant 176 : index
          %get3A_229 = tpu.vector_load %arg6[%get3A_227, %get3A_228] {strides = array<i32>} : memref<8x512xi32, #tpu.memory_space<vmem>>, vector<16xi32>,
          %gather3A_230 = tpu.vector_load_idx %arg5[%get3A_229] : memref<100000xf32, #tpu.memory_space<vmem>>[vector<16xi32>], vector<16xf32>,
          %swap3A_231 = arith.index_cast %add3A_161 : i32 to index
          %swap3A_232 = arith.constant 128 : index
          %swap3A_233 = tpu.vector_load %arg8[%swap3A_231, %swap3A_232] {strides = array<i32>} : memref<8x512xf32, #tpu.memory_space<vmem>>, vector<16xf32>,
          tpu.vector_store %arg8[%swap3A_231, %swap3A_232], %gather3A_209 {strides = array<i32>} : memref<8x512xf32, #tpu.memory_space<vmem>>, vector<16xf32>,
          %get3A_234 = arith.index_cast %add3A_161 : i32 to index
          %get3A_235 = arith.constant 192 : index
          %get3A_236 = tpu.vector_load %arg6[%get3A_234, %get3A_235] {strides = array<i32>} : memref<8x512xi32, #tpu.memory_space<vmem>>, vector<16xi32>,
          %gather3A_237 = tpu.vector_load_idx %arg5[%get3A_236] : memref<100000xf32, #tpu.memory_space<vmem>>[vector<16xi32>], vector<16xf32>,
          %swap3A_238 = arith.index_cast %add3A_161 : i32 to index
          %swap3A_239 = arith.constant 144 : index
          %swap3A_240 = tpu.vector_load %arg8[%swap3A_238, %swap3A_239] {strides = array<i32>} : memref<8x512xf32, #tpu.memory_space<vmem>>, vector<16xf32>,
          tpu.vector_store %arg8[%swap3A_238, %swap3A_239], %gather3A_216 {strides = array<i32>} : memref<8x512xf32, #tpu.memory_space<vmem>>, vector<16xf32>,
          %get3A_241 = arith.index_cast %add3A_161 : i32 to index
          %get3A_242 = arith.constant 208 : index
          %get3A_243 = tpu.vector_load %arg6[%get3A_241, %get3A_242] {strides = array<i32>} : memref<8x512xi32, #tpu.memory_space<vmem>>, vector<16xi32>,
          %gather3A_244 = tpu.vector_load_idx %arg5[%get3A_243] : memref<100000xf32, #tpu.memory_space<vmem>>[vector<16xi32>], vector<16xf32>,
          %swap3A_245 = arith.index_cast %add3A_161 : i32 to index
          %swap3A_246 = arith.constant 160 : index
          %swap3A_247 = tpu.vector_load %arg8[%swap3A_245, %swap3A_246] {strides = array<i32>} : memref<8x512xf32, #tpu.memory_space<vmem>>, vector<16xf32>,
          tpu.vector_store %arg8[%swap3A_245, %swap3A_246], %gather3A_223 {strides = array<i32>} : memref<8x512xf32, #tpu.memory_space<vmem>>, vector<16xf32>,
          %get3A_248 = arith.index_cast %add3A_161 : i32 to index
          %get3A_249 = arith.constant 224 : index
          %get3A_250 = tpu.vector_load %arg6[%get3A_248, %get3A_249] {strides = array<i32>} : memref<8x512xi32, #tpu.memory_space<vmem>>, vector<16xi32>,
          %gather3A_251 = tpu.vector_load_idx %arg5[%get3A_250] : memref<100000xf32, #tpu.memory_space<vmem>>[vector<16xi32>], vector<16xf32>,
          %swap3A_252 = arith.index_cast %add3A_161 : i32 to index
          %swap3A_253 = arith.constant 176 : index
          %swap3A_254 = tpu.vector_load %arg8[%swap3A_252, %swap3A_253] {strides = array<i32>} : memref<8x512xf32, #tpu.memory_space<vmem>>, vector<16xf32>,
          tpu.vector_store %arg8[%swap3A_252, %swap3A_253], %gather3A_230 {strides = array<i32>} : memref<8x512xf32, #tpu.memory_space<vmem>>, vector<16xf32>,
          %get3A_255 = arith.index_cast %add3A_161 : i32 to index
          %get3A_256 = arith.constant 240 : index
          %get3A_257 = tpu.vector_load %arg6[%get3A_255, %get3A_256] {strides = array<i32>} : memref<8x512xi32, #tpu.memory_space<vmem>>, vector<16xi32>,
          %gather3A_258 = tpu.vector_load_idx %arg5[%get3A_257] : memref<100000xf32, #tpu.memory_space<vmem>>[vector<16xi32>], vector<16xf32>,
          %swap3A_259 = arith.index_cast %add3A_161 : i32 to index
          %swap3A_260 = arith.constant 192 : index
          %swap3A_261 = tpu.vector_load %arg8[%swap3A_259, %swap3A_260] {strides = array<i32>} : memref<8x512xf32, #tpu.memory_space<vmem>>, vector<16xf32>,
          tpu.vector_store %arg8[%swap3A_259, %swap3A_260], %gather3A_237 {strides = array<i32>} : memref<8x512xf32, #tpu.memory_space<vmem>>, vector<16xf32>,
          %get3A_262 = arith.index_cast %add3A_161 : i32 to index
          %get3A_263 = arith.constant 256 : index
          %get3A_264 = tpu.vector_load %arg6[%get3A_262, %get3A_263] {strides = array<i32>} : memref<8x512xi32, #tpu.memory_space<vmem>>, vector<16xi32>,
          %gather3A_265 = tpu.vector_load_idx %arg5[%get3A_264] : memref<100000xf32, #tpu.memory_space<vmem>>[vector<16xi32>], vector<16xf32>,
          %swap3A_266 = arith.index_cast %add3A_161 : i32 to index
          %swap3A_267 = arith.constant 208 : index
          %swap3A_268 = tpu.vector_load %arg8[%swap3A_266, %swap3A_267] {strides = array<i32>} : memref<8x512xf32, #tpu.memory_space<vmem>>, vector<16xf32>,
          tpu.vector_store %arg8[%swap3A_266, %swap3A_267], %gather3A_244 {strides = array<i32>} : memref<8x512xf32, #tpu.memory_space<vmem>>, vector<16xf32>,
          %get3A_269 = arith.index_cast %add3A_161 : i32 to index
          %get3A_270 = arith.constant 272 : index
          %get3A_271 = tpu.vector_load %arg6[%get3A_269, %get3A_270] {strides = array<i32>} : memref<8x512xi32, #tpu.memory_space<vmem>>, vector<16xi32>,
          %gather3A_272 = tpu.vector_load_idx %arg5[%get3A_271] : memref<100000xf32, #tpu.memory_space<vmem>>[vector<16xi32>], vector<16xf32>,
          %swap3A_273 = arith.index_cast %add3A_161 : i32 to index
          %swap3A_274 = arith.constant 224 : index
          %swap3A_275 = tpu.vector_load %arg8[%swap3A_273, %swap3A_274] {strides = array<i32>} : memref<8x512xf32, #tpu.memory_space<vmem>>, vector<16xf32>,
          tpu.vector_store %arg8[%swap3A_273, %swap3A_274], %gather3A_251 {strides = array<i32>} : memref<8x512xf32, #tpu.memory_space<vmem>>, vector<16xf32>,
          %get3A_276 = arith.index_cast %add3A_161 : i32 to index
          %get3A_277 = arith.constant 288 : index
          %get3A_278 = tpu.vector_load %arg6[%get3A_276, %get3A_277] {strides = array<i32>} : memref<8x512xi32, #tpu.memory_space<vmem>>, vector<16xi32>,
          %gather3A_279 = tpu.vector_load_idx %arg5[%get3A_278] : memref<100000xf32, #tpu.memory_space<vmem>>[vector<16xi32>], vector<16xf32>,
          %swap3A_280 = arith.index_cast %add3A_161 : i32 to index
          %swap3A_281 = arith.constant 240 : index
          %swap3A_282 = tpu.vector_load %arg8[%swap3A_280, %swap3A_281] {strides = array<i32>} : memref<8x512xf32, #tpu.memory_space<vmem>>, vector<16xf32>,
          tpu.vector_store %arg8[%swap3A_280, %swap3A_281], %gather3A_258 {strides = array<i32>} : memref<8x512xf32, #tpu.memory_space<vmem>>, vector<16xf32>,
          %get3A_283 = arith.index_cast %add3A_161 : i32 to index
          %get3A_284 = arith.constant 304 : index
          %get3A_285 = tpu.vector_load %arg6[%get3A_283, %get3A_284] {strides = array<i32>} : memref<8x512xi32, #tpu.memory_space<vmem>>, vector<16xi32>,
          %gather3A_286 = tpu.vector_load_idx %arg5[%get3A_285] : memref<100000xf32, #tpu.memory_space<vmem>>[vector<16xi32>], vector<16xf32>,
          %swap3A_287 = arith.index_cast %add3A_161 : i32 to index
          %swap3A_288 = arith.constant 256 : index
          %swap3A_289 = tpu.vector_load %arg8[%swap3A_287, %swap3A_288] {strides = array<i32>} : memref<8x512xf32, #tpu.memory_space<vmem>>, vector<16xf32>,
          tpu.vector_store %arg8[%swap3A_287, %swap3A_288], %gather3A_265 {strides = array<i32>} : memref<8x512xf32, #tpu.memory_space<vmem>>, vector<16xf32>,
          %get3A_290 = arith.index_cast %add3A_161 : i32 to index
          %get3A_291 = arith.constant 320 : index
          %get3A_292 = tpu.vector_load %arg6[%get3A_290, %get3A_291] {strides = array<i32>} : memref<8x512xi32, #tpu.memory_space<vmem>>, vector<16xi32>,
          %gather3A_293 = tpu.vector_load_idx %arg5[%get3A_292] : memref<100000xf32, #tpu.memory_space<vmem>>[vector<16xi32>], vector<16xf32>,
          %swap3A_294 = arith.index_cast %add3A_161 : i32 to index
          %swap3A_295 = arith.constant 272 : index
          %swap3A_296 = tpu.vector_load %arg8[%swap3A_294, %swap3A_295] {strides = array<i32>} : memref<8x512xf32, #tpu.memory_space<vmem>>, vector<16xf32>,
          tpu.vector_store %arg8[%swap3A_294, %swap3A_295], %gather3A_272 {strides = array<i32>} : memref<8x512xf32, #tpu.memory_space<vmem>>, vector<16xf32>,
          %get3A_297 = arith.index_cast %add3A_161 : i32 to index
          %get3A_298 = arith.constant 336 : index
          %get3A_299 = tpu.vector_load %arg6[%get3A_297, %get3A_298] {strides = array<i32>} : memref<8x512xi32, #tpu.memory_space<vmem>>, vector<16xi32>,
          %gather3A_300 = tpu.vector_load_idx %arg5[%get3A_299] : memref<100000xf32, #tpu.memory_space<vmem>>[vector<16xi32>], vector<16xf32>,
          %swap3A_301 = arith.index_cast %add3A_161 : i32 to index
          %swap3A_302 = arith.constant 288 : index
          %swap3A_303 = tpu.vector_load %arg8[%swap3A_301, %swap3A_302] {strides = array<i32>} : memref<8x512xf32, #tpu.memory_space<vmem>>, vector<16xf32>,
          tpu.vector_store %arg8[%swap3A_301, %swap3A_302], %gather3A_279 {strides = array<i32>} : memref<8x512xf32, #tpu.memory_space<vmem>>, vector<16xf32>,
          %get3A_304 = arith.index_cast %add3A_161 : i32 to index
          %get3A_305 = arith.constant 352 : index
          %get3A_306 = tpu.vector_load %arg6[%get3A_304, %get3A_305] {strides = array<i32>} : memref<8x512xi32, #tpu.memory_space<vmem>>, vector<16xi32>,
          %gather3A_307 = tpu.vector_load_idx %arg5[%get3A_306] : memref<100000xf32, #tpu.memory_space<vmem>>[vector<16xi32>], vector<16xf32>,
          %swap3A_308 = arith.index_cast %add3A_161 : i32 to index
          %swap3A_309 = arith.constant 304 : index
          %swap3A_310 = tpu.vector_load %arg8[%swap3A_308, %swap3A_309] {strides = array<i32>} : memref<8x512xf32, #tpu.memory_space<vmem>>, vector<16xf32>,
          tpu.vector_store %arg8[%swap3A_308, %swap3A_309], %gather3A_286 {strides = array<i32>} : memref<8x512xf32, #tpu.memory_space<vmem>>, vector<16xf32>,
          %get3A_311 = arith.index_cast %add3A_161 : i32 to index
          %get3A_312 = arith.constant 368 : index
          %get3A_313 = tpu.vector_load %arg6[%get3A_311, %get3A_312] {strides = array<i32>} : memref<8x512xi32, #tpu.memory_space<vmem>>, vector<16xi32>,
          %gather3A_314 = tpu.vector_load_idx %arg5[%get3A_313] : memref<100000xf32, #tpu.memory_space<vmem>>[vector<16xi32>], vector<16xf32>,
          %swap3A_315 = arith.index_cast %add3A_161 : i32 to index
          %swap3A_316 = arith.constant 320 : index
          %swap3A_317 = tpu.vector_load %arg8[%swap3A_315, %swap3A_316] {strides = array<i32>} : memref<8x512xf32, #tpu.memory_space<vmem>>, vector<16xf32>,
          tpu.vector_store %arg8[%swap3A_315, %swap3A_316], %gather3A_293 {strides = array<i32>} : memref<8x512xf32, #tpu.memory_space<vmem>>, vector<16xf32>,
          %get3A_318 = arith.index_cast %add3A_161 : i32 to index
          %get3A_319 = arith.constant 384 : index
          %get3A_320 = tpu.vector_load %arg6[%get3A_318, %get3A_319] {strides = array<i32>} : memref<8x512xi32, #tpu.memory_space<vmem>>, vector<16xi32>,
          %gather3A_321 = tpu.vector_load_idx %arg5[%get3A_320] : memref<100000xf32, #tpu.memory_space<vmem>>[vector<16xi32>], vector<16xf32>,
          %swap3A_322 = arith.index_cast %add3A_161 : i32 to index
          %swap3A_323 = arith.constant 336 : index
          %swap3A_324 = tpu.vector_load %arg8[%swap3A_322, %swap3A_323] {strides = array<i32>} : memref<8x512xf32, #tpu.memory_space<vmem>>, vector<16xf32>,
          tpu.vector_store %arg8[%swap3A_322, %swap3A_323], %gather3A_300 {strides = array<i32>} : memref<8x512xf32, #tpu.memory_space<vmem>>, vector<16xf32>,
          %get3A_325 = arith.index_cast %add3A_161 : i32 to index
          %get3A_326 = arith.constant 400 : index
          %get3A_327 = tpu.vector_load %arg6[%get3A_325, %get3A_326] {strides = array<i32>} : memref<8x512xi32, #tpu.memory_space<vmem>>, vector<16xi32>,
          %gather3A_328 = tpu.vector_load_idx %arg5[%get3A_327] : memref<100000xf32, #tpu.memory_space<vmem>>[vector<16xi32>], vector<16xf32>,
          %swap3A_329 = arith.index_cast %add3A_161 : i32 to index
          %swap3A_330 = arith.constant 352 : index
          %swap3A_331 = tpu.vector_load %arg8[%swap3A_329, %swap3A_330] {strides = array<i32>} : memref<8x512xf32, #tpu.memory_space<vmem>>, vector<16xf32>,
          tpu.vector_store %arg8[%swap3A_329, %swap3A_330], %gather3A_307 {strides = array<i32>} : memref<8x512xf32, #tpu.memory_space<vmem>>, vector<16xf32>,
          %get3A_332 = arith.index_cast %add3A_161 : i32 to index
          %get3A_333 = arith.constant 416 : index
          %get3A_334 = tpu.vector_load %arg6[%get3A_332, %get3A_333] {strides = array<i32>} : memref<8x512xi32, #tpu.memory_space<vmem>>, vector<16xi32>,
          %gather3A_335 = tpu.vector_load_idx %arg5[%get3A_334] : memref<100000xf32, #tpu.memory_space<vmem>>[vector<16xi32>], vector<16xf32>,
          %swap3A_336 = arith.index_cast %add3A_161 : i32 to index
          %swap3A_337 = arith.constant 368 : index
          %swap3A_338 = tpu.vector_load %arg8[%swap3A_336, %swap3A_337] {strides = array<i32>} : memref<8x512xf32, #tpu.memory_space<vmem>>, vector<16xf32>,
          tpu.vector_store %arg8[%swap3A_336, %swap3A_337], %gather3A_314 {strides = array<i32>} : memref<8x512xf32, #tpu.memory_space<vmem>>, vector<16xf32>,
          %get3A_339 = arith.index_cast %add3A_161 : i32 to index
          %get3A_340 = arith.constant 432 : index
          %get3A_341 = tpu.vector_load %arg6[%get3A_339, %get3A_340] {strides = array<i32>} : memref<8x512xi32, #tpu.memory_space<vmem>>, vector<16xi32>,
          %gather3A_342 = tpu.vector_load_idx %arg5[%get3A_341] : memref<100000xf32, #tpu.memory_space<vmem>>[vector<16xi32>], vector<16xf32>,
          %swap3A_343 = arith.index_cast %add3A_161 : i32 to index
          %swap3A_344 = arith.constant 384 : index
          %swap3A_345 = tpu.vector_load %arg8[%swap3A_343, %swap3A_344] {strides = array<i32>} : memref<8x512xf32, #tpu.memory_space<vmem>>, vector<16xf32>,
          tpu.vector_store %arg8[%swap3A_343, %swap3A_344], %gather3A_321 {strides = array<i32>} : memref<8x512xf32, #tpu.memory_space<vmem>>, vector<16xf32>,
          %get3A_346 = arith.index_cast %add3A_161 : i32 to index
          %get3A_347 = arith.constant 448 : index
          %get3A_348 = tpu.vector_load %arg6[%get3A_346, %get3A_347] {strides = array<i32>} : memref<8x512xi32, #tpu.memory_space<vmem>>, vector<16xi32>,
          %gather3A_349 = tpu.vector_load_idx %arg5[%get3A_348] : memref<100000xf32, #tpu.memory_space<vmem>>[vector<16xi32>], vector<16xf32>,
          %swap3A_350 = arith.index_cast %add3A_161 : i32 to index
          %swap3A_351 = arith.constant 400 : index
          %swap3A_352 = tpu.vector_load %arg8[%swap3A_350, %swap3A_351] {strides = array<i32>} : memref<8x512xf32, #tpu.memory_space<vmem>>, vector<16xf32>,
          tpu.vector_store %arg8[%swap3A_350, %swap3A_351], %gather3A_328 {strides = array<i32>} : memref<8x512xf32, #tpu.memory_space<vmem>>, vector<16xf32>,
          %get3A_353 = arith.index_cast %add3A_161 : i32 to index
          %get3A_354 = arith.constant 464 : index
          %get3A_355 = tpu.vector_load %arg6[%get3A_353, %get3A_354] {strides = array<i32>} : memref<8x512xi32, #tpu.memory_space<vmem>>, vector<16xi32>,
          %gather3A_356 = tpu.vector_load_idx %arg5[%get3A_355] : memref<100000xf32, #tpu.memory_space<vmem>>[vector<16xi32>], vector<16xf32>,
          %swap3A_357 = arith.index_cast %add3A_161 : i32 to index
          %swap3A_358 = arith.constant 416 : index
          %swap3A_359 = tpu.vector_load %arg8[%swap3A_357, %swap3A_358] {strides = array<i32>} : memref<8x512xf32, #tpu.memory_space<vmem>>, vector<16xf32>,
          tpu.vector_store %arg8[%swap3A_357, %swap3A_358], %gather3A_335 {strides = array<i32>} : memref<8x512xf32, #tpu.memory_space<vmem>>, vector<16xf32>,
          %get3A_360 = arith.index_cast %add3A_161 : i32 to index
          %get3A_361 = arith.constant 480 : index
          %get3A_362 = tpu.vector_load %arg6[%get3A_360, %get3A_361] {strides = array<i32>} : memref<8x512xi32, #tpu.memory_space<vmem>>, vector<16xi32>,
          %gather3A_363 = tpu.vector_load_idx %arg5[%get3A_362] : memref<100000xf32, #tpu.memory_space<vmem>>[vector<16xi32>], vector<16xf32>,
          %swap3A_364 = arith.index_cast %add3A_161 : i32 to index
          %swap3A_365 = arith.constant 432 : index
          %swap3A_366 = tpu.vector_load %arg8[%swap3A_364, %swap3A_365] {strides = array<i32>} : memref<8x512xf32, #tpu.memory_space<vmem>>, vector<16xf32>,
          tpu.vector_store %arg8[%swap3A_364, %swap3A_365], %gather3A_342 {strides = array<i32>} : memref<8x512xf32, #tpu.memory_space<vmem>>, vector<16xf32>,
          %get3A_367 = arith.index_cast %add3A_161 : i32 to index
          %get3A_368 = arith.constant 496 : index
          %get3A_369 = tpu.vector_load %arg6[%get3A_367, %get3A_368] {strides = array<i32>} : memref<8x512xi32, #tpu.memory_space<vmem>>, vector<16xi32>,
          %gather3A_370 = tpu.vector_load_idx %arg5[%get3A_369] : memref<100000xf32, #tpu.memory_space<vmem>>[vector<16xi32>], vector<16xf32>,
          %swap3A_371 = arith.index_cast %add3A_161 : i32 to index
          %swap3A_372 = arith.constant 448 : index
          %swap3A_373 = tpu.vector_load %arg8[%swap3A_371, %swap3A_372] {strides = array<i32>} : memref<8x512xf32, #tpu.memory_space<vmem>>, vector<16xf32>,
          tpu.vector_store %arg8[%swap3A_371, %swap3A_372], %gather3A_349 {strides = array<i32>} : memref<8x512xf32, #tpu.memory_space<vmem>>, vector<16xf32>,
          %swap3A_374 = arith.index_cast %add3A_161 : i32 to index
          %swap3A_375 = arith.constant 464 : index
          %swap3A_376 = tpu.vector_load %arg8[%swap3A_374, %swap3A_375] {strides = array<i32>} : memref<8x512xf32, #tpu.memory_space<vmem>>, vector<16xf32>,
          tpu.vector_store %arg8[%swap3A_374, %swap3A_375], %gather3A_356 {strides = array<i32>} : memref<8x512xf32, #tpu.memory_space<vmem>>, vector<16xf32>,
          %swap3A_377 = arith.index_cast %add3A_161 : i32 to index
          %swap3A_378 = arith.constant 480 : index
          %swap3A_379 = tpu.vector_load %arg8[%swap3A_377, %swap3A_378] {strides = array<i32>} : memref<8x512xf32, #tpu.memory_space<vmem>>, vector<16xf32>,
          tpu.vector_store %arg8[%swap3A_377, %swap3A_378], %gather3A_363 {strides = array<i32>} : memref<8x512xf32, #tpu.memory_space<vmem>>, vector<16xf32>,
          %swap3A_380 = arith.index_cast %add3A_161 : i32 to index
          %swap3A_381 = arith.constant 496 : index
          %swap3A_382 = tpu.vector_load %arg8[%swap3A_380, %swap3A_381] {strides = array<i32>} : memref<8x512xf32, #tpu.memory_space<vmem>>, vector<16xf32>,
          tpu.vector_store %arg8[%swap3A_380, %swap3A_381], %gather3A_370 {strides = array<i32>} : memref<8x512xf32, #tpu.memory_space<vmem>>, vector<16xf32>,
        }
        %scan3A_115 = arith.constant 8 : i32
        %mul3A_116 = arith.constant 8 : i32
        %mul3A_117 = arith.muli %add3A_94, %mul3A_116 : i32
        %dma_start3A_118 = arith.constant 0 : i32
        %dma_start3A_119 = tpu.memref_slice %arg4[%add3A_14, %mul3A_117, %dma_start3A_118] : memref<484x200x1024xf32, #tpu.memory_space<hbm>> -> memref<1x8x512xf32, #tpu.memory_space<hbm>>
        %dma_start3A_120 = tpu.memref_squeeze %dma_start3A_119 : memref<1x8x512xf32, #tpu.memory_space<hbm>> -> memref<8x512xf32, #tpu.memory_space<hbm>>
        %dma_start3A_121 = arith.constant 0 : i32
        %dma_start3A_122 = tpu.memref_slice %arg4[%add3A_14, %mul3A_117, %dma_start3A_121] : memref<484x200x1024xf32, #tpu.memory_space<hbm>> -> memref<1x8x512xf32, #tpu.memory_space<hbm>>
        %dma_start3A_123 = tpu.memref_squeeze %dma_start3A_122 : memref<1x8x512xf32, #tpu.memory_space<hbm>> -> memref<8x512xf32, #tpu.memory_space<hbm>>
        tpu.enqueue_dma source(%arg8 : memref<8x512xf32, #tpu.memory_space<vmem>>) target(%dma_start3A_123 : memref<8x512xf32, #tpu.memory_space<hbm>>) target_semaphore(%arg14 : memref<!tpu.dma_semaphore, #tpu.memory_space<semaphore_mem>>)
        %dma_wait3A_124 = arith.constant 0 : i32
        %dma_wait3A_125 = arith.constant 0 : i32
        %dma_wait3A_126 = tpu.memref_slice %arg10[%dma_wait3A_124, %dma_wait3A_125] : memref<200x1024xi32, #tpu.memory_space<vmem_shared>> -> memref<8x512xi32, #tpu.memory_space<vmem_shared>>
        %dma_wait3A_127 = arith.constant 0 : i32
        %dma_wait3A_128 = arith.constant 0 : i32
        %dma_wait3A_129 = tpu.memref_slice %arg10[%dma_wait3A_127, %dma_wait3A_128] : memref<200x1024xi32, #tpu.memory_space<vmem_shared>> -> memref<8x512xi32, #tpu.memory_space<vmem_shared>>
        tpu.wait_dma2 semaphore(%arg13 : memref<!tpu.dma_semaphore, #tpu.memory_space<semaphore_mem>>) src(%dma_wait3A_129 : memref<8x512xi32, #tpu.memory_space<vmem_shared>>) dst(%arg7 : memref<8x512xi32, #tpu.memory_space<vmem>>)
        %add3A_130 = arith.constant 1 : i32
        %add3A_131 = arith.addi %add3A_94, %add3A_130 : i32
        %min3A = arith.constant 24 : i32
        %min3A_132 = arith.minsi %add3A_131, %min3A : i32
        %mul3A_133 = arith.constant 8 : i32
        %mul3A_134 = arith.muli %min3A_132, %mul3A_133 : i32
        %dma_start3A_135 = arith.constant 0 : i32
        %dma_start3A_136 = tpu.memref_slice %arg10[%mul3A_134, %dma_start3A_135] : memref<200x1024xi32, #tpu.memory_space<vmem_shared>> -> memref<8x512xi32, #tpu.memory_space<vmem_shared>>
        %dma_start3A_137 = arith.constant 0 : i32
        %dma_start3A_138 = tpu.memref_slice %arg10[%mul3A_134, %dma_start3A_137] : memref<200x1024xi32, #tpu.memory_space<vmem_shared>> -> memref<8x512xi32, #tpu.memory_space<vmem_shared>>
        tpu.enqueue_dma source(%dma_start3A_138 : memref<8x512xi32, #tpu.memory_space<vmem_shared>>) target(%arg6 : memref<8x512xi32, #tpu.memory_space<vmem>>) target_semaphore(%arg12 : memref<!tpu.dma_semaphore, #tpu.memory_space<semaphore_mem>>)
        %gt3A_139 = arith.constant 0 : i32
        %gt3A_140 = arith.cmpi sgt, %add3A_94, %gt3A_139 : i32
        %convert_element_type3A_141 = arith.extui %gt3A_140 : i1 to i32
        %cond3A_142 = arith.constant 0 : i32
        %cond3A_143 = arith.cmpi ne, %convert_element_type3A_141, %cond3A_142 : i32
        scf.if %cond3A_143 {
          %dma_wait3A_157 = arith.constant 0 : i32
          %dma_wait3A_158 = arith.constant 0 : i32
          %dma_wait3A_159 = arith.constant 0 : i32
          %dma_wait3A_160 = tpu.memref_slice %arg4[%dma_wait3A_157, %dma_wait3A_158, %dma_wait3A_159] : memref<484x200x1024xf32, #tpu.memory_space<hbm>> -> memref<1x8x512xf32, #tpu.memory_space<hbm>>
          %dma_wait3A_161 = tpu.memref_squeeze %dma_wait3A_160 : memref<1x8x512xf32, #tpu.memory_space<hbm>> -> memref<8x512xf32, #tpu.memory_space<hbm>>
          %dma_wait3A_162 = arith.constant 0 : i32
          %dma_wait3A_163 = arith.constant 0 : i32
          %dma_wait3A_164 = tpu.memref_slice %arg4[%dma_wait3A_157, %dma_wait3A_162, %dma_wait3A_163] : memref<484x200x1024xf32, #tpu.memory_space<hbm>> -> memref<1x8x512xf32, #tpu.memory_space<hbm>>
          %dma_wait3A_165 = tpu.memref_squeeze %dma_wait3A_164 : memref<1x8x512xf32, #tpu.memory_space<hbm>> -> memref<8x512xf32, #tpu.memory_space<hbm>>
          tpu.wait_dma2 semaphore(%arg15 : memref<!tpu.dma_semaphore, #tpu.memory_space<semaphore_mem>>) src(%dma_wait3A_165 : memref<8x512xf32, #tpu.memory_space<hbm>>) dst(%arg9 : memref<8x512xf32, #tpu.memory_space<vmem>>)
        } else {
        }
        %scan3A_144 = arith.constant 0 : i32
        %scan3A_145 = arith.constant 8 : i32
        %scan3A_146 = arith.addi %scan3A_144, %scan3A_145 : i32
        %scan3A_147 = arith.constant 1 : i32
        scf.for %scan3A_157 = %scan3A_144 to %scan3A_146 step %scan3A_147  : i32 {
          %mul3A_158 = arith.constant 1 : i32
          %mul3A_159 = arith.muli %scan3A_157, %mul3A_158 : i32
          %add3A_160 = arith.constant 0 : i32
          %add3A_161 = arith.addi %add3A_160, %mul3A_159 : i32
          %get3A = arith.index_cast %add3A_161 : i32 to index
          %get3A_162 = arith.constant 0 : index
          %get3A_163 = tpu.vector_load %arg7[%get3A, %get3A_162] {strides = array<i32>} : memref<8x512xi32, #tpu.memory_space<vmem>>, vector<16xi32>,
          %gather3A = tpu.vector_load_idx %arg5[%get3A_163] : memref<100000xf32, #tpu.memory_space<vmem>>[vector<16xi32>], vector<16xf32>,
          %get3A_164 = arith.index_cast %add3A_161 : i32 to index
          %get3A_165 = arith.constant 16 : index
          %get3A_166 = tpu.vector_load %arg7[%get3A_164, %get3A_165] {strides = array<i32>} : memref<8x512xi32, #tpu.memory_space<vmem>>, vector<16xi32>,
          %gather3A_167 = tpu.vector_load_idx %arg5[%get3A_166] : memref<100000xf32, #tpu.memory_space<vmem>>[vector<16xi32>], vector<16xf32>,
          %get3A_168 = arith.index_cast %add3A_161 : i32 to index
          %get3A_169 = arith.constant 32 : index
          %get3A_170 = tpu.vector_load %arg7[%get3A_168, %get3A_169] {strides = array<i32>} : memref<8x512xi32, #tpu.memory_space<vmem>>, vector<16xi32>,
          %gather3A_171 = tpu.vector_load_idx %arg5[%get3A_170] : memref<100000xf32, #tpu.memory_space<vmem>>[vector<16xi32>], vector<16xf32>,
          %get3A_172 = arith.index_cast %add3A_161 : i32 to index
          %get3A_173 = arith.constant 48 : index
          %get3A_174 = tpu.vector_load %arg7[%get3A_172, %get3A_173] {strides = array<i32>} : memref<8x512xi32, #tpu.memory_space<vmem>>, vector<16xi32>,
          %gather3A_175 = tpu.vector_load_idx %arg5[%get3A_174] : memref<100000xf32, #tpu.memory_space<vmem>>[vector<16xi32>], vector<16xf32>,
          %swap3A = arith.index_cast %add3A_161 : i32 to index
          %swap3A_176 = arith.constant 0 : index
          %swap3A_177 = tpu.vector_load %arg9[%swap3A, %swap3A_176] {strides = array<i32>} : memref<8x512xf32, #tpu.memory_space<vmem>>, vector<16xf32>,
          tpu.vector_store %arg9[%swap3A, %swap3A_176], %gather3A {strides = array<i32>} : memref<8x512xf32, #tpu.memory_space<vmem>>, vector<16xf32>,
          %get3A_178 = arith.index_cast %add3A_161 : i32 to index
          %get3A_179 = arith.constant 64 : index
          %get3A_180 = tpu.vector_load %arg7[%get3A_178, %get3A_179] {strides = array<i32>} : memref<8x512xi32, #tpu.memory_space<vmem>>, vector<16xi32>,
          %gather3A_181 = tpu.vector_load_idx %arg5[%get3A_180] : memref<100000xf32, #tpu.memory_space<vmem>>[vector<16xi32>], vector<16xf32>,
          %swap3A_182 = arith.index_cast %add3A_161 : i32 to index
          %swap3A_183 = arith.constant 16 : index
          %swap3A_184 = tpu.vector_load %arg9[%swap3A_182, %swap3A_183] {strides = array<i32>} : memref<8x512xf32, #tpu.memory_space<vmem>>, vector<16xf32>,
          tpu.vector_store %arg9[%swap3A_182, %swap3A_183], %gather3A_167 {strides = array<i32>} : memref<8x512xf32, #tpu.memory_space<vmem>>, vector<16xf32>,
          %get3A_185 = arith.index_cast %add3A_161 : i32 to index
          %get3A_186 = arith.constant 80 : index
          %get3A_187 = tpu.vector_load %arg7[%get3A_185, %get3A_186] {strides = array<i32>} : memref<8x512xi32, #tpu.memory_space<vmem>>, vector<16xi32>,
          %gather3A_188 = tpu.vector_load_idx %arg5[%get3A_187] : memref<100000xf32, #tpu.memory_space<vmem>>[vector<16xi32>], vector<16xf32>,
          %swap3A_189 = arith.index_cast %add3A_161 : i32 to index
          %swap3A_190 = arith.constant 32 : index
          %swap3A_191 = tpu.vector_load %arg9[%swap3A_189, %swap3A_190] {strides = array<i32>} : memref<8x512xf32, #tpu.memory_space<vmem>>, vector<16xf32>,
          tpu.vector_store %arg9[%swap3A_189, %swap3A_190], %gather3A_171 {strides = array<i32>} : memref<8x512xf32, #tpu.memory_space<vmem>>, vector<16xf32>,
          %get3A_192 = arith.index_cast %add3A_161 : i32 to index
          %get3A_193 = arith.constant 96 : index
          %get3A_194 = tpu.vector_load %arg7[%get3A_192, %get3A_193] {strides = array<i32>} : memref<8x512xi32, #tpu.memory_space<vmem>>, vector<16xi32>,
          %gather3A_195 = tpu.vector_load_idx %arg5[%get3A_194] : memref<100000xf32, #tpu.memory_space<vmem>>[vector<16xi32>], vector<16xf32>,
          %swap3A_196 = arith.index_cast %add3A_161 : i32 to index
          %swap3A_197 = arith.constant 48 : index
          %swap3A_198 = tpu.vector_load %arg9[%swap3A_196, %swap3A_197] {strides = array<i32>} : memref<8x512xf32, #tpu.memory_space<vmem>>, vector<16xf32>,
          tpu.vector_store %arg9[%swap3A_196, %swap3A_197], %gather3A_175 {strides = array<i32>} : memref<8x512xf32, #tpu.memory_space<vmem>>, vector<16xf32>,
          %get3A_199 = arith.index_cast %add3A_161 : i32 to index
          %get3A_200 = arith.constant 112 : index
          %get3A_201 = tpu.vector_load %arg7[%get3A_199, %get3A_200] {strides = array<i32>} : memref<8x512xi32, #tpu.memory_space<vmem>>, vector<16xi32>,
          %gather3A_202 = tpu.vector_load_idx %arg5[%get3A_201] : memref<100000xf32, #tpu.memory_space<vmem>>[vector<16xi32>], vector<16xf32>,
          %swap3A_203 = arith.index_cast %add3A_161 : i32 to index
          %swap3A_204 = arith.constant 64 : index
          %swap3A_205 = tpu.vector_load %arg9[%swap3A_203, %swap3A_204] {strides = array<i32>} : memref<8x512xf32, #tpu.memory_space<vmem>>, vector<16xf32>,
          tpu.vector_store %arg9[%swap3A_203, %swap3A_204], %gather3A_181 {strides = array<i32>} : memref<8x512xf32, #tpu.memory_space<vmem>>, vector<16xf32>,
          %get3A_206 = arith.index_cast %add3A_161 : i32 to index
          %get3A_207 = arith.constant 128 : index
          %get3A_208 = tpu.vector_load %arg7[%get3A_206, %get3A_207] {strides = array<i32>} : memref<8x512xi32, #tpu.memory_space<vmem>>, vector<16xi32>,
          %gather3A_209 = tpu.vector_load_idx %arg5[%get3A_208] : memref<100000xf32, #tpu.memory_space<vmem>>[vector<16xi32>], vector<16xf32>,
          %swap3A_210 = arith.index_cast %add3A_161 : i32 to index
          %swap3A_211 = arith.constant 80 : index
          %swap3A_212 = tpu.vector_load %arg9[%swap3A_210, %swap3A_211] {strides = array<i32>} : memref<8x512xf32, #tpu.memory_space<vmem>>, vector<16xf32>,
          tpu.vector_store %arg9[%swap3A_210, %swap3A_211], %gather3A_188 {strides = array<i32>} : memref<8x512xf32, #tpu.memory_space<vmem>>, vector<16xf32>,
          %get3A_213 = arith.index_cast %add3A_161 : i32 to index
          %get3A_214 = arith.constant 144 : index
          %get3A_215 = tpu.vector_load %arg7[%get3A_213, %get3A_214] {strides = array<i32>} : memref<8x512xi32, #tpu.memory_space<vmem>>, vector<16xi32>,
          %gather3A_216 = tpu.vector_load_idx %arg5[%get3A_215] : memref<100000xf32, #tpu.memory_space<vmem>>[vector<16xi32>], vector<16xf32>,
          %swap3A_217 = arith.index_cast %add3A_161 : i32 to index
          %swap3A_218 = arith.constant 96 : index
          %swap3A_219 = tpu.vector_load %arg9[%swap3A_217, %swap3A_218] {strides = array<i32>} : memref<8x512xf32, #tpu.memory_space<vmem>>, vector<16xf32>,
          tpu.vector_store %arg9[%swap3A_217, %swap3A_218], %gather3A_195 {strides = array<i32>} : memref<8x512xf32, #tpu.memory_space<vmem>>, vector<16xf32>,
          %get3A_220 = arith.index_cast %add3A_161 : i32 to index
          %get3A_221 = arith.constant 160 : index
          %get3A_222 = tpu.vector_load %arg7[%get3A_220, %get3A_221] {strides = array<i32>} : memref<8x512xi32, #tpu.memory_space<vmem>>, vector<16xi32>,
          %gather3A_223 = tpu.vector_load_idx %arg5[%get3A_222] : memref<100000xf32, #tpu.memory_space<vmem>>[vector<16xi32>], vector<16xf32>,
          %swap3A_224 = arith.index_cast %add3A_161 : i32 to index
          %swap3A_225 = arith.constant 112 : index
          %swap3A_226 = tpu.vector_load %arg9[%swap3A_224, %swap3A_225] {strides = array<i32>} : memref<8x512xf32, #tpu.memory_space<vmem>>, vector<16xf32>,
          tpu.vector_store %arg9[%swap3A_224, %swap3A_225], %gather3A_202 {strides = array<i32>} : memref<8x512xf32, #tpu.memory_space<vmem>>, vector<16xf32>,
          %get3A_227 = arith.index_cast %add3A_161 : i32 to index
          %get3A_228 = arith.constant 176 : index
          %get3A_229 = tpu.vector_load %arg7[%get3A_227, %get3A_228] {strides = array<i32>} : memref<8x512xi32, #tpu.memory_space<vmem>>, vector<16xi32>,
          %gather3A_230 = tpu.vector_load_idx %arg5[%get3A_229] : memref<100000xf32, #tpu.memory_space<vmem>>[vector<16xi32>], vector<16xf32>,
          %swap3A_231 = arith.index_cast %add3A_161 : i32 to index
          %swap3A_232 = arith.constant 128 : index
          %swap3A_233 = tpu.vector_load %arg9[%swap3A_231, %swap3A_232] {strides = array<i32>} : memref<8x512xf32, #tpu.memory_space<vmem>>, vector<16xf32>,
          tpu.vector_store %arg9[%swap3A_231, %swap3A_232], %gather3A_209 {strides = array<i32>} : memref<8x512xf32, #tpu.memory_space<vmem>>, vector<16xf32>,
          %get3A_234 = arith.index_cast %add3A_161 : i32 to index
          %get3A_235 = arith.constant 192 : index
          %get3A_236 = tpu.vector_load %arg7[%get3A_234, %get3A_235] {strides = array<i32>} : memref<8x512xi32, #tpu.memory_space<vmem>>, vector<16xi32>,
          %gather3A_237 = tpu.vector_load_idx %arg5[%get3A_236] : memref<100000xf32, #tpu.memory_space<vmem>>[vector<16xi32>], vector<16xf32>,
          %swap3A_238 = arith.index_cast %add3A_161 : i32 to index
          %swap3A_239 = arith.constant 144 : index
          %swap3A_240 = tpu.vector_load %arg9[%swap3A_238, %swap3A_239] {strides = array<i32>} : memref<8x512xf32, #tpu.memory_space<vmem>>, vector<16xf32>,
          tpu.vector_store %arg9[%swap3A_238, %swap3A_239], %gather3A_216 {strides = array<i32>} : memref<8x512xf32, #tpu.memory_space<vmem>>, vector<16xf32>,
          %get3A_241 = arith.index_cast %add3A_161 : i32 to index
          %get3A_242 = arith.constant 208 : index
          %get3A_243 = tpu.vector_load %arg7[%get3A_241, %get3A_242] {strides = array<i32>} : memref<8x512xi32, #tpu.memory_space<vmem>>, vector<16xi32>,
          %gather3A_244 = tpu.vector_load_idx %arg5[%get3A_243] : memref<100000xf32, #tpu.memory_space<vmem>>[vector<16xi32>], vector<16xf32>,
          %swap3A_245 = arith.index_cast %add3A_161 : i32 to index
          %swap3A_246 = arith.constant 160 : index
          %swap3A_247 = tpu.vector_load %arg9[%swap3A_245, %swap3A_246] {strides = array<i32>} : memref<8x512xf32, #tpu.memory_space<vmem>>, vector<16xf32>,
          tpu.vector_store %arg9[%swap3A_245, %swap3A_246], %gather3A_223 {strides = array<i32>} : memref<8x512xf32, #tpu.memory_space<vmem>>, vector<16xf32>,
          %get3A_248 = arith.index_cast %add3A_161 : i32 to index
          %get3A_249 = arith.constant 224 : index
          %get3A_250 = tpu.vector_load %arg7[%get3A_248, %get3A_249] {strides = array<i32>} : memref<8x512xi32, #tpu.memory_space<vmem>>, vector<16xi32>,
          %gather3A_251 = tpu.vector_load_idx %arg5[%get3A_250] : memref<100000xf32, #tpu.memory_space<vmem>>[vector<16xi32>], vector<16xf32>,
          %swap3A_252 = arith.index_cast %add3A_161 : i32 to index
          %swap3A_253 = arith.constant 176 : index
          %swap3A_254 = tpu.vector_load %arg9[%swap3A_252, %swap3A_253] {strides = array<i32>} : memref<8x512xf32, #tpu.memory_space<vmem>>, vector<16xf32>,
          tpu.vector_store %arg9[%swap3A_252, %swap3A_253], %gather3A_230 {strides = array<i32>} : memref<8x512xf32, #tpu.memory_space<vmem>>, vector<16xf32>,
          %get3A_255 = arith.index_cast %add3A_161 : i32 to index
          %get3A_256 = arith.constant 240 : index
          %get3A_257 = tpu.vector_load %arg7[%get3A_255, %get3A_256] {strides = array<i32>} : memref<8x512xi32, #tpu.memory_space<vmem>>, vector<16xi32>,
          %gather3A_258 = tpu.vector_load_idx %arg5[%get3A_257] : memref<100000xf32, #tpu.memory_space<vmem>>[vector<16xi32>], vector<16xf32>,
          %swap3A_259 = arith.index_cast %add3A_161 : i32 to index
          %swap3A_260 = arith.constant 192 : index
          %swap3A_261 = tpu.vector_load %arg9[%swap3A_259, %swap3A_260] {strides = array<i32>} : memref<8x512xf32, #tpu.memory_space<vmem>>, vector<16xf32>,
          tpu.vector_store %arg9[%swap3A_259, %swap3A_260], %gather3A_237 {strides = array<i32>} : memref<8x512xf32, #tpu.memory_space<vmem>>, vector<16xf32>,
          %get3A_262 = arith.index_cast %add3A_161 : i32 to index
          %get3A_263 = arith.constant 256 : index
          %get3A_264 = tpu.vector_load %arg7[%get3A_262, %get3A_263] {strides = array<i32>} : memref<8x512xi32, #tpu.memory_space<vmem>>, vector<16xi32>,
          %gather3A_265 = tpu.vector_load_idx %arg5[%get3A_264] : memref<100000xf32, #tpu.memory_space<vmem>>[vector<16xi32>], vector<16xf32>,
          %swap3A_266 = arith.index_cast %add3A_161 : i32 to index
          %swap3A_267 = arith.constant 208 : index
          %swap3A_268 = tpu.vector_load %arg9[%swap3A_266, %swap3A_267] {strides = array<i32>} : memref<8x512xf32, #tpu.memory_space<vmem>>, vector<16xf32>,
          tpu.vector_store %arg9[%swap3A_266, %swap3A_267], %gather3A_244 {strides = array<i32>} : memref<8x512xf32, #tpu.memory_space<vmem>>, vector<16xf32>,
          %get3A_269 = arith.index_cast %add3A_161 : i32 to index
          %get3A_270 = arith.constant 272 : index
          %get3A_271 = tpu.vector_load %arg7[%get3A_269, %get3A_270] {strides = array<i32>} : memref<8x512xi32, #tpu.memory_space<vmem>>, vector<16xi32>,
          %gather3A_272 = tpu.vector_load_idx %arg5[%get3A_271] : memref<100000xf32, #tpu.memory_space<vmem>>[vector<16xi32>], vector<16xf32>,
          %swap3A_273 = arith.index_cast %add3A_161 : i32 to index
          %swap3A_274 = arith.constant 224 : index
          %swap3A_275 = tpu.vector_load %arg9[%swap3A_273, %swap3A_274] {strides = array<i32>} : memref<8x512xf32, #tpu.memory_space<vmem>>, vector<16xf32>,
          tpu.vector_store %arg9[%swap3A_273, %swap3A_274], %gather3A_251 {strides = array<i32>} : memref<8x512xf32, #tpu.memory_space<vmem>>, vector<16xf32>,
          %get3A_276 = arith.index_cast %add3A_161 : i32 to index
          %get3A_277 = arith.constant 288 : index
          %get3A_278 = tpu.vector_load %arg7[%get3A_276, %get3A_277] {strides = array<i32>} : memref<8x512xi32, #tpu.memory_space<vmem>>, vector<16xi32>,
          %gather3A_279 = tpu.vector_load_idx %arg5[%get3A_278] : memref<100000xf32, #tpu.memory_space<vmem>>[vector<16xi32>], vector<16xf32>,
          %swap3A_280 = arith.index_cast %add3A_161 : i32 to index
          %swap3A_281 = arith.constant 240 : index
          %swap3A_282 = tpu.vector_load %arg9[%swap3A_280, %swap3A_281] {strides = array<i32>} : memref<8x512xf32, #tpu.memory_space<vmem>>, vector<16xf32>,
          tpu.vector_store %arg9[%swap3A_280, %swap3A_281], %gather3A_258 {strides = array<i32>} : memref<8x512xf32, #tpu.memory_space<vmem>>, vector<16xf32>,
          %get3A_283 = arith.index_cast %add3A_161 : i32 to index
          %get3A_284 = arith.constant 304 : index
          %get3A_285 = tpu.vector_load %arg7[%get3A_283, %get3A_284] {strides = array<i32>} : memref<8x512xi32, #tpu.memory_space<vmem>>, vector<16xi32>,
          %gather3A_286 = tpu.vector_load_idx %arg5[%get3A_285] : memref<100000xf32, #tpu.memory_space<vmem>>[vector<16xi32>], vector<16xf32>,
          %swap3A_287 = arith.index_cast %add3A_161 : i32 to index
          %swap3A_288 = arith.constant 256 : index
          %swap3A_289 = tpu.vector_load %arg9[%swap3A_287, %swap3A_288] {strides = array<i32>} : memref<8x512xf32, #tpu.memory_space<vmem>>, vector<16xf32>,
          tpu.vector_store %arg9[%swap3A_287, %swap3A_288], %gather3A_265 {strides = array<i32>} : memref<8x512xf32, #tpu.memory_space<vmem>>, vector<16xf32>,
          %get3A_290 = arith.index_cast %add3A_161 : i32 to index
          %get3A_291 = arith.constant 320 : index
          %get3A_292 = tpu.vector_load %arg7[%get3A_290, %get3A_291] {strides = array<i32>} : memref<8x512xi32, #tpu.memory_space<vmem>>, vector<16xi32>,
          %gather3A_293 = tpu.vector_load_idx %arg5[%get3A_292] : memref<100000xf32, #tpu.memory_space<vmem>>[vector<16xi32>], vector<16xf32>,
          %swap3A_294 = arith.index_cast %add3A_161 : i32 to index
          %swap3A_295 = arith.constant 272 : index
          %swap3A_296 = tpu.vector_load %arg9[%swap3A_294, %swap3A_295] {strides = array<i32>} : memref<8x512xf32, #tpu.memory_space<vmem>>, vector<16xf32>,
          tpu.vector_store %arg9[%swap3A_294, %swap3A_295], %gather3A_272 {strides = array<i32>} : memref<8x512xf32, #tpu.memory_space<vmem>>, vector<16xf32>,
          %get3A_297 = arith.index_cast %add3A_161 : i32 to index
          %get3A_298 = arith.constant 336 : index
          %get3A_299 = tpu.vector_load %arg7[%get3A_297, %get3A_298] {strides = array<i32>} : memref<8x512xi32, #tpu.memory_space<vmem>>, vector<16xi32>,
          %gather3A_300 = tpu.vector_load_idx %arg5[%get3A_299] : memref<100000xf32, #tpu.memory_space<vmem>>[vector<16xi32>], vector<16xf32>,
          %swap3A_301 = arith.index_cast %add3A_161 : i32 to index
          %swap3A_302 = arith.constant 288 : index
          %swap3A_303 = tpu.vector_load %arg9[%swap3A_301, %swap3A_302] {strides = array<i32>} : memref<8x512xf32, #tpu.memory_space<vmem>>, vector<16xf32>,
          tpu.vector_store %arg9[%swap3A_301, %swap3A_302], %gather3A_279 {strides = array<i32>} : memref<8x512xf32, #tpu.memory_space<vmem>>, vector<16xf32>,
          %get3A_304 = arith.index_cast %add3A_161 : i32 to index
          %get3A_305 = arith.constant 352 : index
          %get3A_306 = tpu.vector_load %arg7[%get3A_304, %get3A_305] {strides = array<i32>} : memref<8x512xi32, #tpu.memory_space<vmem>>, vector<16xi32>,
          %gather3A_307 = tpu.vector_load_idx %arg5[%get3A_306] : memref<100000xf32, #tpu.memory_space<vmem>>[vector<16xi32>], vector<16xf32>,
          %swap3A_308 = arith.index_cast %add3A_161 : i32 to index
          %swap3A_309 = arith.constant 304 : index
          %swap3A_310 = tpu.vector_load %arg9[%swap3A_308, %swap3A_309] {strides = array<i32>} : memref<8x512xf32, #tpu.memory_space<vmem>>, vector<16xf32>,
          tpu.vector_store %arg9[%swap3A_308, %swap3A_309], %gather3A_286 {strides = array<i32>} : memref<8x512xf32, #tpu.memory_space<vmem>>, vector<16xf32>,
          %get3A_311 = arith.index_cast %add3A_161 : i32 to index
          %get3A_312 = arith.constant 368 : index
          %get3A_313 = tpu.vector_load %arg7[%get3A_311, %get3A_312] {strides = array<i32>} : memref<8x512xi32, #tpu.memory_space<vmem>>, vector<16xi32>,
          %gather3A_314 = tpu.vector_load_idx %arg5[%get3A_313] : memref<100000xf32, #tpu.memory_space<vmem>>[vector<16xi32>], vector<16xf32>,
          %swap3A_315 = arith.index_cast %add3A_161 : i32 to index
          %swap3A_316 = arith.constant 320 : index
          %swap3A_317 = tpu.vector_load %arg9[%swap3A_315, %swap3A_316] {strides = array<i32>} : memref<8x512xf32, #tpu.memory_space<vmem>>, vector<16xf32>,
          tpu.vector_store %arg9[%swap3A_315, %swap3A_316], %gather3A_293 {strides = array<i32>} : memref<8x512xf32, #tpu.memory_space<vmem>>, vector<16xf32>,
          %get3A_318 = arith.index_cast %add3A_161 : i32 to index
          %get3A_319 = arith.constant 384 : index
          %get3A_320 = tpu.vector_load %arg7[%get3A_318, %get3A_319] {strides = array<i32>} : memref<8x512xi32, #tpu.memory_space<vmem>>, vector<16xi32>,
          %gather3A_321 = tpu.vector_load_idx %arg5[%get3A_320] : memref<100000xf32, #tpu.memory_space<vmem>>[vector<16xi32>], vector<16xf32>,
          %swap3A_322 = arith.index_cast %add3A_161 : i32 to index
          %swap3A_323 = arith.constant 336 : index
          %swap3A_324 = tpu.vector_load %arg9[%swap3A_322, %swap3A_323] {strides = array<i32>} : memref<8x512xf32, #tpu.memory_space<vmem>>, vector<16xf32>,
          tpu.vector_store %arg9[%swap3A_322, %swap3A_323], %gather3A_300 {strides = array<i32>} : memref<8x512xf32, #tpu.memory_space<vmem>>, vector<16xf32>,
          %get3A_325 = arith.index_cast %add3A_161 : i32 to index
          %get3A_326 = arith.constant 400 : index
          %get3A_327 = tpu.vector_load %arg7[%get3A_325, %get3A_326] {strides = array<i32>} : memref<8x512xi32, #tpu.memory_space<vmem>>, vector<16xi32>,
          %gather3A_328 = tpu.vector_load_idx %arg5[%get3A_327] : memref<100000xf32, #tpu.memory_space<vmem>>[vector<16xi32>], vector<16xf32>,
          %swap3A_329 = arith.index_cast %add3A_161 : i32 to index
          %swap3A_330 = arith.constant 352 : index
          %swap3A_331 = tpu.vector_load %arg9[%swap3A_329, %swap3A_330] {strides = array<i32>} : memref<8x512xf32, #tpu.memory_space<vmem>>, vector<16xf32>,
          tpu.vector_store %arg9[%swap3A_329, %swap3A_330], %gather3A_307 {strides = array<i32>} : memref<8x512xf32, #tpu.memory_space<vmem>>, vector<16xf32>,
          %get3A_332 = arith.index_cast %add3A_161 : i32 to index
          %get3A_333 = arith.constant 416 : index
          %get3A_334 = tpu.vector_load %arg7[%get3A_332, %get3A_333] {strides = array<i32>} : memref<8x512xi32, #tpu.memory_space<vmem>>, vector<16xi32>,
          %gather3A_335 = tpu.vector_load_idx %arg5[%get3A_334] : memref<100000xf32, #tpu.memory_space<vmem>>[vector<16xi32>], vector<16xf32>,
          %swap3A_336 = arith.index_cast %add3A_161 : i32 to index
          %swap3A_337 = arith.constant 368 : index
          %swap3A_338 = tpu.vector_load %arg9[%swap3A_336, %swap3A_337] {strides = array<i32>} : memref<8x512xf32, #tpu.memory_space<vmem>>, vector<16xf32>,
          tpu.vector_store %arg9[%swap3A_336, %swap3A_337], %gather3A_314 {strides = array<i32>} : memref<8x512xf32, #tpu.memory_space<vmem>>, vector<16xf32>,
          %get3A_339 = arith.index_cast %add3A_161 : i32 to index
          %get3A_340 = arith.constant 432 : index
          %get3A_341 = tpu.vector_load %arg7[%get3A_339, %get3A_340] {strides = array<i32>} : memref<8x512xi32, #tpu.memory_space<vmem>>, vector<16xi32>,
          %gather3A_342 = tpu.vector_load_idx %arg5[%get3A_341] : memref<100000xf32, #tpu.memory_space<vmem>>[vector<16xi32>], vector<16xf32>,
          %swap3A_343 = arith.index_cast %add3A_161 : i32 to index
          %swap3A_344 = arith.constant 384 : index
          %swap3A_345 = tpu.vector_load %arg9[%swap3A_343, %swap3A_344] {strides = array<i32>} : memref<8x512xf32, #tpu.memory_space<vmem>>, vector<16xf32>,
          tpu.vector_store %arg9[%swap3A_343, %swap3A_344], %gather3A_321 {strides = array<i32>} : memref<8x512xf32, #tpu.memory_space<vmem>>, vector<16xf32>,
          %get3A_346 = arith.index_cast %add3A_161 : i32 to index
          %get3A_347 = arith.constant 448 : index
          %get3A_348 = tpu.vector_load %arg7[%get3A_346, %get3A_347] {strides = array<i32>} : memref<8x512xi32, #tpu.memory_space<vmem>>, vector<16xi32>,
          %gather3A_349 = tpu.vector_load_idx %arg5[%get3A_348] : memref<100000xf32, #tpu.memory_space<vmem>>[vector<16xi32>], vector<16xf32>,
          %swap3A_350 = arith.index_cast %add3A_161 : i32 to index
          %swap3A_351 = arith.constant 400 : index
          %swap3A_352 = tpu.vector_load %arg9[%swap3A_350, %swap3A_351] {strides = array<i32>} : memref<8x512xf32, #tpu.memory_space<vmem>>, vector<16xf32>,
          tpu.vector_store %arg9[%swap3A_350, %swap3A_351], %gather3A_328 {strides = array<i32>} : memref<8x512xf32, #tpu.memory_space<vmem>>, vector<16xf32>,
          %get3A_353 = arith.index_cast %add3A_161 : i32 to index
          %get3A_354 = arith.constant 464 : index
          %get3A_355 = tpu.vector_load %arg7[%get3A_353, %get3A_354] {strides = array<i32>} : memref<8x512xi32, #tpu.memory_space<vmem>>, vector<16xi32>,
          %gather3A_356 = tpu.vector_load_idx %arg5[%get3A_355] : memref<100000xf32, #tpu.memory_space<vmem>>[vector<16xi32>], vector<16xf32>,
          %swap3A_357 = arith.index_cast %add3A_161 : i32 to index
          %swap3A_358 = arith.constant 416 : index
          %swap3A_359 = tpu.vector_load %arg9[%swap3A_357, %swap3A_358] {strides = array<i32>} : memref<8x512xf32, #tpu.memory_space<vmem>>, vector<16xf32>,
          tpu.vector_store %arg9[%swap3A_357, %swap3A_358], %gather3A_335 {strides = array<i32>} : memref<8x512xf32, #tpu.memory_space<vmem>>, vector<16xf32>,
          %get3A_360 = arith.index_cast %add3A_161 : i32 to index
          %get3A_361 = arith.constant 480 : index
          %get3A_362 = tpu.vector_load %arg7[%get3A_360, %get3A_361] {strides = array<i32>} : memref<8x512xi32, #tpu.memory_space<vmem>>, vector<16xi32>,
          %gather3A_363 = tpu.vector_load_idx %arg5[%get3A_362] : memref<100000xf32, #tpu.memory_space<vmem>>[vector<16xi32>], vector<16xf32>,
          %swap3A_364 = arith.index_cast %add3A_161 : i32 to index
          %swap3A_365 = arith.constant 432 : index
          %swap3A_366 = tpu.vector_load %arg9[%swap3A_364, %swap3A_365] {strides = array<i32>} : memref<8x512xf32, #tpu.memory_space<vmem>>, vector<16xf32>,
          tpu.vector_store %arg9[%swap3A_364, %swap3A_365], %gather3A_342 {strides = array<i32>} : memref<8x512xf32, #tpu.memory_space<vmem>>, vector<16xf32>,
          %get3A_367 = arith.index_cast %add3A_161 : i32 to index
          %get3A_368 = arith.constant 496 : index
          %get3A_369 = tpu.vector_load %arg7[%get3A_367, %get3A_368] {strides = array<i32>} : memref<8x512xi32, #tpu.memory_space<vmem>>, vector<16xi32>,
          %gather3A_370 = tpu.vector_load_idx %arg5[%get3A_369] : memref<100000xf32, #tpu.memory_space<vmem>>[vector<16xi32>], vector<16xf32>,
          %swap3A_371 = arith.index_cast %add3A_161 : i32 to index
          %swap3A_372 = arith.constant 448 : index
          %swap3A_373 = tpu.vector_load %arg9[%swap3A_371, %swap3A_372] {strides = array<i32>} : memref<8x512xf32, #tpu.memory_space<vmem>>, vector<16xf32>,
          tpu.vector_store %arg9[%swap3A_371, %swap3A_372], %gather3A_349 {strides = array<i32>} : memref<8x512xf32, #tpu.memory_space<vmem>>, vector<16xf32>,
          %swap3A_374 = arith.index_cast %add3A_161 : i32 to index
          %swap3A_375 = arith.constant 464 : index
          %swap3A_376 = tpu.vector_load %arg9[%swap3A_374, %swap3A_375] {strides = array<i32>} : memref<8x512xf32, #tpu.memory_space<vmem>>, vector<16xf32>,
          tpu.vector_store %arg9[%swap3A_374, %swap3A_375], %gather3A_356 {strides = array<i32>} : memref<8x512xf32, #tpu.memory_space<vmem>>, vector<16xf32>,
          %swap3A_377 = arith.index_cast %add3A_161 : i32 to index
          %swap3A_378 = arith.constant 480 : index
          %swap3A_379 = tpu.vector_load %arg9[%swap3A_377, %swap3A_378] {strides = array<i32>} : memref<8x512xf32, #tpu.memory_space<vmem>>, vector<16xf32>,
          tpu.vector_store %arg9[%swap3A_377, %swap3A_378], %gather3A_363 {strides = array<i32>} : memref<8x512xf32, #tpu.memory_space<vmem>>, vector<16xf32>,
          %swap3A_380 = arith.index_cast %add3A_161 : i32 to index
          %swap3A_381 = arith.constant 496 : index
          %swap3A_382 = tpu.vector_load %arg9[%swap3A_380, %swap3A_381] {strides = array<i32>} : memref<8x512xf32, #tpu.memory_space<vmem>>, vector<16xf32>,
          tpu.vector_store %arg9[%swap3A_380, %swap3A_381], %gather3A_370 {strides = array<i32>} : memref<8x512xf32, #tpu.memory_space<vmem>>, vector<16xf32>,
        }
        %scan3A_148 = arith.constant 8 : i32
        %mul3A_149 = arith.constant 8 : i32
        %mul3A_150 = arith.muli %add3A_94, %mul3A_149 : i32
        %dma_start3A_151 = arith.constant 512 : i32
        %dma_start3A_152 = tpu.memref_slice %arg4[%add3A_14, %mul3A_150, %dma_start3A_151] : memref<484x200x1024xf32, #tpu.memory_space<hbm>> -> memref<1x8x512xf32, #tpu.memory_space<hbm>>
        %dma_start3A_153 = tpu.memref_squeeze %dma_start3A_152 : memref<1x8x512xf32, #tpu.memory_space<hbm>> -> memref<8x512xf32, #tpu.memory_space<hbm>>
        %dma_start3A_154 = arith.constant 512 : i32
        %dma_start3A_155 = tpu.memref_slice %arg4[%add3A_14, %mul3A_150, %dma_start3A_154] : memref<484x200x1024xf32, #tpu.memory_space<hbm>> -> memref<1x8x512xf32, #tpu.memory_space<hbm>>
        %dma_start3A_156 = tpu.memref_squeeze %dma_start3A_155 : memref<1x8x512xf32, #tpu.memory_space<hbm>> -> memref<8x512xf32, #tpu.memory_space<hbm>>
        tpu.enqueue_dma source(%arg9 : memref<8x512xf32, #tpu.memory_space<vmem>>) target(%dma_start3A_156 : memref<8x512xf32, #tpu.memory_space<hbm>>) target_semaphore(%arg15 : memref<!tpu.dma_semaphore, #tpu.memory_space<semaphore_mem>>)
      }
      %scan3A_64 = arith.constant 25 : i32
      %dma_wait3A_65 = arith.constant 0 : i32
      %dma_wait3A_66 = arith.constant 0 : i32
      %dma_wait3A_67 = tpu.memref_slice %arg10[%dma_wait3A_65, %dma_wait3A_66] : memref<200x1024xi32, #tpu.memory_space<vmem_shared>> -> memref<8x512xi32, #tpu.memory_space<vmem_shared>>
      %dma_wait3A_68 = arith.constant 0 : i32
      %dma_wait3A_69 = arith.constant 0 : i32
      %dma_wait3A_70 = tpu.memref_slice %arg10[%dma_wait3A_68, %dma_wait3A_69] : memref<200x1024xi32, #tpu.memory_space<vmem_shared>> -> memref<8x512xi32, #tpu.memory_space<vmem_shared>>
      tpu.wait_dma2 semaphore(%arg12 : memref<!tpu.dma_semaphore, #tpu.memory_space<semaphore_mem>>) src(%dma_wait3A_70 : memref<8x512xi32, #tpu.memory_space<vmem_shared>>) dst(%arg6 : memref<8x512xi32, #tpu.memory_space<vmem>>)
      %dma_wait3A_71 = arith.constant 0 : i32
      %dma_wait3A_72 = arith.constant 0 : i32
      %dma_wait3A_73 = arith.constant 0 : i32
      %dma_wait3A_74 = tpu.memref_slice %arg4[%dma_wait3A_71, %dma_wait3A_72, %dma_wait3A_73] : memref<484x200x1024xf32, #tpu.memory_space<hbm>> -> memref<1x8x512xf32, #tpu.memory_space<hbm>>
      %dma_wait3A_75 = tpu.memref_squeeze %dma_wait3A_74 : memref<1x8x512xf32, #tpu.memory_space<hbm>> -> memref<8x512xf32, #tpu.memory_space<hbm>>
      %dma_wait3A_76 = arith.constant 0 : i32
      %dma_wait3A_77 = arith.constant 0 : i32
      %dma_wait3A_78 = tpu.memref_slice %arg4[%dma_wait3A_71, %dma_wait3A_76, %dma_wait3A_77] : memref<484x200x1024xf32, #tpu.memory_space<hbm>> -> memref<1x8x512xf32, #tpu.memory_space<hbm>>
      %dma_wait3A_79 = tpu.memref_squeeze %dma_wait3A_78 : memref<1x8x512xf32, #tpu.memory_space<hbm>> -> memref<8x512xf32, #tpu.memory_space<hbm>>
      tpu.wait_dma2 semaphore(%arg14 : memref<!tpu.dma_semaphore, #tpu.memory_space<semaphore_mem>>) src(%dma_wait3A_79 : memref<8x512xf32, #tpu.memory_space<hbm>>) dst(%arg8 : memref<8x512xf32, #tpu.memory_space<vmem>>)
      %dma_wait3A_80 = arith.constant 0 : i32
      %dma_wait3A_81 = arith.constant 0 : i32
      %dma_wait3A_82 = arith.constant 0 : i32
      %dma_wait3A_83 = tpu.memref_slice %arg4[%dma_wait3A_80, %dma_wait3A_81, %dma_wait3A_82] : memref<484x200x1024xf32, #tpu.memory_space<hbm>> -> memref<1x8x512xf32, #tpu.memory_space<hbm>>
      %dma_wait3A_84 = tpu.memref_squeeze %dma_wait3A_83 : memref<1x8x512xf32, #tpu.memory_space<hbm>> -> memref<8x512xf32, #tpu.memory_space<hbm>>
      %dma_wait3A_85 = arith.constant 0 : i32
      %dma_wait3A_86 = arith.constant 0 : i32
      %dma_wait3A_87 = tpu.memref_slice %arg4[%dma_wait3A_80, %dma_wait3A_85, %dma_wait3A_86] : memref<484x200x1024xf32, #tpu.memory_space<hbm>> -> memref<1x8x512xf32, #tpu.memory_space<hbm>>
      %dma_wait3A_88 = tpu.memref_squeeze %dma_wait3A_87 : memref<1x8x512xf32, #tpu.memory_space<hbm>> -> memref<8x512xf32, #tpu.memory_space<hbm>>
      tpu.wait_dma2 semaphore(%arg15 : memref<!tpu.dma_semaphore, #tpu.memory_space<semaphore_mem>>) src(%dma_wait3A_88 : memref<8x512xf32, #tpu.memory_space<hbm>>) dst(%arg9 : memref<8x512xf32, #tpu.memory_space<vmem>>)
      %barrier3A_89 = arith.constant 0 : index
      tpu.barrier barrier_id(%barrier3A_89)
    }
    %scan3A_3 = arith.constant 13 : i32
    return
  }
}

module attributes {stable_mosaic.version = 14 : i64} {
  func.func @body(%arg0: i32, %arg1: memref<8x64x1024xf32, #tpu.memory_space<vmem>>, %arg2: memref<64x8x1024xf32, #tpu.memory_space<vmem>>, %arg3: memref<64x8x1024xf32, #tpu.memory_space<vmem>>) attributes {dimension_semantics = [#tpu.dimension_semantics<arbitrary>], iteration_bounds = array<i64: 25>, scalar_prefetch = 0 : i64, scratch_operands = 0 : i64, tpu.core_type = #tpu.core_type<tc>, window_params = [{transform_indices = @transform_0, window_bounds = array<i64: 8, 64, 1024>}, {transform_indices = @transform_1, window_bounds = array<i64: 64, 8, 1024>}, {transform_indices = @transform_2, window_bounds = array<i64: 64, 8, 1024>}]} {
    %get3A = arith.constant 0 : index
    %get3A_0 = arith.constant 0 : index
    %get3A_1 = arith.constant 0 : index
    %get3A_2 = vector.load %arg1[%get3A, %get3A_0, %get3A_1] : memref<8x64x1024xf32, #tpu.memory_space<vmem>>, vector<8x64x1024xf32>
    %transpose3A = tpu.transpose %get3A_2, [1, 0, 2] : vector<8x64x1024xf32> -> vector<64x8x1024xf32>
    %swap3A = arith.constant 0 : index
    %swap3A_3 = arith.constant 0 : index
    %swap3A_4 = arith.constant 0 : index
    %swap3A_5 = vector.load %arg3[%swap3A, %swap3A_3, %swap3A_4] : memref<64x8x1024xf32, #tpu.memory_space<vmem>>, vector<64x8x1024xf32>
    tpu.vector_store %arg3[%swap3A, %swap3A_3, %swap3A_4], %transpose3A {strides = array<i32>} : memref<64x8x1024xf32, #tpu.memory_space<vmem>>, vector<64x8x1024xf32>,
    return
  }
  func.func @transform_0(%arg0: i32) -> (i32, i32, i32) {
    %c0_i32 = arith.constant 0 : i32
    %c0_i32_0 = arith.constant 0 : i32
    %c0_i32_1 = arith.constant 0 : i32
    return %arg0, %c0_i32, %c0_i32_0 : i32, i32, i32
  }
  func.func @transform_1(%arg0: i32) -> (i32, i32, i32) {
    %c0_i32 = arith.constant 0 : i32
    %c0_i32_0 = arith.constant 0 : i32
    %c0_i32_1 = arith.constant 0 : i32
    return %c0_i32, %arg0, %c0_i32_0 : i32, i32, i32
  }
  func.func @transform_2(%arg0: i32) -> (i32, i32, i32) {
    %c0_i32 = arith.constant 0 : i32
    %c0_i32_0 = arith.constant 0 : i32
    %c0_i32_1 = arith.constant 0 : i32
    return %c0_i32, %arg0, %c0_i32_0 : i32, i32, i32
  }
}

module attributes {stable_mosaic.version = 14 : i64} {
  func.func @body(%arg0: i32, %arg1: memref<8x4x1024xf32, #tpu.memory_space<vmem>>, %arg2: memref<4x8x1024xf32, #tpu.memory_space<vmem>>, %arg3: memref<4x8x1024xf32, #tpu.memory_space<vmem>>) attributes {dimension_semantics = [#tpu.dimension_semantics<arbitrary>], iteration_bounds = array<i64: 25>, scalar_prefetch = 0 : i64, scratch_operands = 0 : i64, tpu.core_type = #tpu.core_type<tc>, window_params = [{transform_indices = @transform_0, window_bounds = array<i64: 8, 4, 1024>}, {transform_indices = @transform_1, window_bounds = array<i64: 4, 8, 1024>}, {transform_indices = @transform_2, window_bounds = array<i64: 4, 8, 1024>}]} {
    %get3A = arith.constant 0 : index
    %get3A_0 = arith.constant 0 : index
    %get3A_1 = arith.constant 0 : index
    %get3A_2 = vector.load %arg1[%get3A, %get3A_0, %get3A_1] : memref<8x4x1024xf32, #tpu.memory_space<vmem>>, vector<8x4x1024xf32>
    %transpose3A = tpu.transpose %get3A_2, [1, 0, 2] : vector<8x4x1024xf32> -> vector<4x8x1024xf32>
    %swap3A = arith.constant 0 : index
    %swap3A_3 = arith.constant 0 : index
    %swap3A_4 = arith.constant 0 : index
    %swap3A_5 = vector.load %arg3[%swap3A, %swap3A_3, %swap3A_4] : memref<4x8x1024xf32, #tpu.memory_space<vmem>>, vector<4x8x1024xf32>
    tpu.vector_store %arg3[%swap3A, %swap3A_3, %swap3A_4], %transpose3A {strides = array<i32>} : memref<4x8x1024xf32, #tpu.memory_space<vmem>>, vector<4x8x1024xf32>,
    return
  }
  func.func @transform_0(%arg0: i32) -> (i32, i32, i32) {
    %c0_i32 = arith.constant 0 : i32
    %c0_i32_0 = arith.constant 0 : i32
    %c0_i32_1 = arith.constant 0 : i32
    return %arg0, %c0_i32, %c0_i32_0 : i32, i32, i32
  }
  func.func @transform_1(%arg0: i32) -> (i32, i32, i32) {
    %c120_i32 = arith.constant 120 : i32
    %c0_i32 = arith.constant 0 : i32
    %c0_i32_0 = arith.constant 0 : i32
    return %c120_i32, %arg0, %c0_i32 : i32, i32, i32
  }
  func.func @transform_2(%arg0: i32) -> (i32, i32, i32) {
    %c120_i32 = arith.constant 120 : i32
    %c0_i32 = arith.constant 0 : i32
    %c0_i32_0 = arith.constant 0 : i32
    return %c120_i32, %arg0, %c0_i32 : i32, i32, i32
  }
}

</mosaic_0001>

<sc_bundles>
// kernel: kernel.5.cloned.1.call-start
scs
__scs_entry_jumppad:
0x0: {  	(pc) =	sbr.rel $0x88, $3  }
0x1: {  	(tag) =	ssettag $0x0;
	lr =	simm.s32 $0x1  }
0x2: {  	[smem:$0x3F9D] =	sst lr;
	_ =	strace $0xD0000000  }
0x3: {  	_ = 	snop  }
0x4: {  	_ = 	snop  }
0x5: {  	_ = 	snop  }
0x6: {  	_ = 	snop  }
0x7: {  	_ = 	snop  }
__scs_overlays_trampoline_lowered:
0x8: {  	[smem:$0x3FAC] =	sst s0  }
0x9: {  	[smem:$0x3FAD] =	sst s1  }
0xa: {  	[smem:$0x3FAE] =	sst s2  }
0xb: {  	[smem:$0x3FAF] =	sst s3  }
0xc: {  	[smem:$0x3FB0] =	sst s4  }
0xd: {  	[smem:$0x3FB1] =	sst s5  }
0xe: {  	[smem:$0x3FB2] =	sst s6  }
0xf: {  	[smem:$0x3FB3] =	sst s7  }
0x10: {  	[smem:$0x3FB4] =	sst s8  }
0x11: {  	[smem:$0x3FB5] =	sst s9;
	s0 =	simm.s32 @!p0 $0x0  }
0x12: {  	s1 =	sld [smem:$0x3F9B];
	s0 =	simm.s32 @p0 $0x1  }
0x13: {  	[smem:$0x3FB6] =	sst s0;
	s0 =	simm.s32 @!p1 $0x0  }
0x14: {  	s2 =	sld [smem:$0x3F9A];
	s0 =	simm.s32 @p1 $0x1  }
0x15: {  	[smem:$0x3FB7] =	sst s0;
	s0 =	simm.s32 @!p2 $0x0  }
0x16: {  	s3 =	sld [smem:$0x3FDB];
	s0 =	simm.s32 @p2 $0x1  }
0x17: {  	s4 =	simm.s32 $0x1BF5;
	[smem:$0x3FB9] =	sst s0  }
0x18: {  	s0 =	sld [smem:$0x3F9C];
	_ =	swait.ge [sflag:s4], $0x0  }
0x19: {  	s7 =	sld [smem:$0x3F9D]  }
0x1a: {  	s8 =	sadd.s32 $0xFFFFE003, lr  }
0x1b: {  	s9 =	sadd.s32 $0xFFFFFEF7, lr;
	s5 =	simm.s32 $0xFFFFFFFF;
	p2 =	slt.u32 s8, $0xFFFFF086  }
0x1c: {  	p1 =	slt.u32 s9, $0xF7A;
	s5 =	simm.s32 @!p2 $0x0  }
0x1d: {  	s5 =	simm.s32 @p1 $0x1;
	p0 =	seq.s32 s7, s2  }
0x1e: {  	s7 =	smul.u32 @!p0 $0xF7A, s2;
	p2 =	seq.s32 @!p0 s5, $0x0  }
0x1f: {  	s9 =	smul.u32 $0xF7A, s1;
	s8 =	simm.s32 @!p0 $0x1BF5;
	p2 =	por !p2, p0  }
0x20: {  	[sflag:s8] =	ssyncset.s32 @!p0 $0xFFFFF086;
	s6 =	sadd.s32 @!p0 s3, s7;
	s7 =	simm.s32 @!p0 $0x108  }
0x21: {  	s3 =	sadd.s32 s3, s9;
	s6 =	sadd.s32 @!p0 $0x88, s6;
	s7 =	simm.s32 @p2 $0x1082  }
0x22: {  	[simem:s7], [sflag:s8] =	dma.local @!p0 [hbm:s6], $0xF7A  }
0x23: {  	s9 =	sor.u32 $0xD0000000, s2;
	s6 =	simm.s32 $0x108;
	_ =	swait.ge @!p0 [sflag:s8], $0x0  }
0x24: {  	s3 =	sadd.s32 $0x88, s3;
	s6 =	simm.s32 @!p1 $0x1082;
	[sflag:s4] =	ssyncset.s32 $0xFFFFF086  }
0x25: {  	[simem:s6], [sflag:s4] =	dma.local [hbm:s3], $0xF7A  }
0x26: {  	[smem:$0x3F9D] =	sst s1;
	(tag) =	ssettag s2;
	_ =	strace s9  }
0x27: {  	s1 =	sld [smem:$0x3FAD]  }
0x28: {  	s2 =	sld [smem:$0x3FAE]  }
0x29: {  	s4 =	sld [smem:$0x3FB0]  }
0x2a: {  	p0 =	seq.s32 s5, $0x0;
	s5 =	sld [smem:$0x3FB1]  }
0x2b: {  	s6 =	sld [smem:$0x3FB2]  }
0x2c: {  	s7 =	sld [smem:$0x3FB3]  }
0x2d: {  	s3 =	simm.s32 $0x108;
	s8 =	sld [smem:$0x3FB4]  }
0x2e: {  	s3 =	simm.s32 @!p0 $0x1082;
	s9 =	sld [smem:$0x3FB5]  }
0x2f: {  	lr =	sadd.s32 s0, s3;
	s0 =	sld [smem:$0x3FAC]  }
0x30: {  	s3 =	sld [smem:$0x3FAF]  }
0x31: {  	[smem:$0x3FB8] =	sst s10  }
0x32: {  	s10 =	sld [smem:$0x3FB6];
	_ =	sdelay $0x3  }
0x33: {  	p0 =	seq.s32 s10, $0x1;
	s10 =	sld [smem:$0x3FB8];
	_ =	sdelay $0x3  }
0x34: {  	[smem:$0x3FB8] =	sst s10  }
0x35: {  	s10 =	sld [smem:$0x3FB7];
	_ =	sdelay $0x3  }
0x36: {  	p1 =	seq.s32 s10, $0x1;
	s10 =	sld [smem:$0x3FB8];
	_ =	sdelay $0x3  }
0x37: {  	[smem:$0x3FB8] =	sst s10  }
0x38: {  	s10 =	sld [smem:$0x3FB9]  }
0x39: {  	_ = 	snop;
	(pc) =	sbr.ind lr, $3  }
0x3a: {  	_ = 	snop  }
0x3b: {  	_ = 	snop  }
0x3c: {  	p2 =	seq.s32 s10, $0x1;
	s10 =	sld [smem:$0x3FB8]  }
0x3d: {  	_ =	shalt  }
0x3e: {  	_ =	shalt  }
0x3f: {  	_ =	shalt  }
0x40: {  	_ =	shalt  }
0x41: {  	_ =	shalt  }
0x42: {  	_ =	shalt  }
0x43: {  	_ =	shalt  }
0x44: {  	_ =	shalt  }
0x45: {  	_ =	shalt  }
0x46: {  	_ =	shalt  }
0x47: {  	_ =	shalt  }
0x48: {  	_ =	shalt  }
0x49: {  	_ =	shalt  }
0x4a: {  	_ =	shalt  }
0x4b: {  	_ =	shalt  }
0x4c: {  	_ =	shalt  }
0x4d: {  	_ =	shalt  }
0x4e: {  	_ =	shalt  }
0x4f: {  	_ =	shalt  }
0x50: {  	_ =	shalt  }
0x51: {  	_ =	shalt  }
0x52: {  	_ =	shalt  }
0x53: {  	_ =	shalt  }
0x54: {  	_ =	shalt  }
0x55: {  	_ =	shalt  }
0x56: {  	_ =	shalt  }
0x57: {  	_ =	shalt  }
0x58: {  	_ =	shalt  }
0x59: {  	_ =	shalt  }
0x5a: {  	_ =	shalt  }
0x5b: {  	_ =	shalt  }
0x5c: {  	_ =	shalt  }
0x5d: {  	_ =	shalt  }
0x5e: {  	_ =	shalt  }
0x5f: {  	_ =	shalt  }
0x60: {  	_ =	shalt  }
0x61: {  	_ =	shalt  }
0x62: {  	_ =	shalt  }
0x63: {  	_ =	shalt  }
0x64: {  	_ =	shalt  }
0x65: {  	_ =	shalt  }
0x66: {  	_ =	shalt  }
0x67: {  	_ =	shalt  }
0x68: {  	_ =	shalt  }
0x69: {  	_ =	shalt  }
0x6a: {  	_ =	shalt  }
0x6b: {  	_ =	shalt  }
0x6c: {  	_ =	shalt  }
0x6d: {  	_ =	shalt  }
0x6e: {  	_ =	shalt  }
0x6f: {  	_ =	shalt  }
0x70: {  	_ =	shalt  }
0x71: {  	_ =	shalt  }
0x72: {  	_ =	shalt  }
0x73: {  	_ =	shalt  }
0x74: {  	_ =	shalt  }
0x75: {  	_ =	shalt  }
0x76: {  	_ =	shalt  }
0x77: {  	_ =	shalt  }
0x78: {  	_ =	shalt  }
0x79: {  	_ =	shalt  }
0x7a: {  	_ =	shalt  }
0x7b: {  	_ =	shalt  }
0x7c: {  	_ =	shalt  }
0x7d: {  	_ =	shalt  }
0x7e: {  	_ =	shalt  }
0x7f: {  	_ =	shalt  }
0x80: {  	_ =	shalt  }
0x81: {  	_ =	shalt  }
0x82: {  	_ =	shalt  }
0x83: {  	_ =	shalt  }
0x84: {  	_ =	shalt  }
0x85: {  	_ =	shalt  }
0x86: {  	_ =	shalt  }
0x87: {  	_ =	shalt  }
.Lfunc_end0:
.L_simem_size_0:
called_computation_lowered:
.L_overlay_start_0:
0x88: {  	s2 =	sld [smem:$0x3FD9]  }
0x89: {  	s3 =	sld [smem:$0x3FFE];
	_ =	sdelay $0x1  }
0x8a: {  	s1 =	srdreg.scid  }
0x8b: {  	s0 =	sand.u32 $0x1, s1  }
0x8c: {  	s18 =	sshll.u32 s0, $0xA;
	s2 =	sadd.s32 s3, s2  }
0x8d: {  	s2 =	sadd.s32 s2, s18  }
0x8e: {  	[smem:$0x3FC4] =	sst s2  }
0x8f: {  	_ = 	snop  }
0x90: {  	s2 =	sld [smem:$0x3FC9]  }
0x91: {  	s19 =	sld [smem:$0x3FC6]  }
0x92: {  	s4 =	sld [smem:$0x3FD0];
	(tm) =	ssettm $0x1  }
0x93: {  	s5 =	sld [smem:$0x3FFB];
	_ =	sdelay $0x3  }
0x94: {  	_ =	strace s5  }
0x95: {  	s5 =	sld [smem:$0x3FFC];
	_ =	sdelay $0x3  }
0x96: {  	_ =	strace s5  }
0x97: {  	s5 =	sld [smem:$0x3FFD];
	_ =	sdelay $0x3  }
0x98: {  	_ =	strace s5  }
0x99: {  	_ =	strace $0x8FFFFFFF  }
0x9a: {  	s20 =	sld [smem:$0x3FDB];
	_ =	sdelay $0x1  }
0x9b: {  	s6 =	simm.s32 $_scs_section_size  }
0x9c: {  	s7 =	simm.s32 $_size__tile_overlayer_lowered;
	s8 =	simm.s32 $_tile_overlayer_lowered  }
0x9d: {  	s23 =	simm.s32 $0x1BFF;
	s22 =	sshll.u32 s8, $0x1;
	s5 =	sadd.s32 s6, s20  }
0x9e: {  	s9 =	simm.s32 $0x0;
	s21 =	sshll.u32 s7, $0x1;
	s7 =	sadd.s32 s22, s5  }
0x9f: {  	[timem:s9], [sflag:s23] =	dma.local [hbm:s7], s21  }
0xa0: {  	_ =	swait.ge [sflag:s23], s21  }
0xa1: {  	s6 =	ssub.s32 $0x0, s21;
	[sflag:s23] =	ssyncset.done $0x0  }
0xa2: {  	[sflag:s23] =	ssyncadd.s32 s6;
	_ =	sdelay $0x1  }
0xa3: {  	s24 =	simm.s32 $0x1B8B  }
0xa4: {  	_ =	swait.ge [sflag:s24], $0x1  }
0xa5: {  	[sflag:s24] =	ssyncset.done $0x0  }
0xa6: {  	s25 =	simm.s32 $0x1B8E;
	[sflag:s24] =	ssyncadd.s32 $0xFFFFFFFF  }
0xa7: {  	s26 =	simm.s32 $execute0_lowered;
	[smem:$0x3FD2] =	sst s25  }
0xa8: {  	s6 =	sshll.u32 s26, $0x1;
	_ =	strace $0x80000046;
	[dreg:$0x1] =	wrdreg $0xFFFFFFFF  }
0xa9: {  	s28 =	simm.s32 $_size_execute0_lowered;
	s5 =	sadd.s32 s5, s6;
	[dreg:$0x0] =	wrdreg $0x0  }
0xaa: {  	s6 =	sshll.u32 s28, $0x1;
	[dreg:$0x2] =	wrdreg s5  }
0xab: {  	[dreg:$0x3] =	wrdreg s6  }
0xac: {  	[dreg:$0x4] =	wrdreg $0xC0  }
0xad: {  	_ =	task [dreg:s9], $0x5FFFF  }
0xae: {  	[dreg:$0x1] =	wrdreg $0xFFFFFFFF  }
0xaf: {  	[dreg:$0x0] =	wrdreg $0x60  }
0xb0: {  	[dreg:$0x2] =	wrdreg s19  }
0xb1: {  	[dreg:$0x3] =	wrdreg s2  }
0xb2: {  	[dreg:$0x4] =	wrdreg s4  }
0xb3: {  	[dreg:$0x5] =	wrdreg $0x1C7000  }
0xb4: {  	[dreg:$0x6] =	wrdreg $0x9  }
0xb5: {  	_ =	task.clear_ibuf [dreg:s9], $0x7FFFF;
	_ =	strace $0x90000046  }
0xb6: {  	s29 =	simm.s32 $0x9;
	_ =	strace $0x80000048  }
0xb7: {  	_ =	swait.ge [sflag:s29], $0x1  }
0xb8: {  	[sflag:s29] =	ssyncadd.s32 $0xFFFFFFFF  }
0xb9: {  	_ =	strace $0x90000048  }
0xba: {  	_ =	sfence  }
0xbb: {  	s30 =	sld [smem:$0x0];
	_ =	sdelay $0x2  }
0xbc: {  	s31 =	sshll.u32 s1, $0xD;
	s1 =	sshrl.u32 s1, $0x2  }
0xbd: {  	s3 =	sand.u32 $0x4000, s31;
	s1 =	sadd.s32 s1, s30  }
0xbe: {  	s0 =	sor.u32 s3, s0;
	s1 =	sshll.u32 s1, $0x11  }
0xbf: {  	s0 =	sor.u32 s1, s0  }
0xc0: {  	s0 =	sadd.s32 $0x8F2B, s0  }
0xc1: {  	[sflag:s0] =	ssyncadd.remote.s32 $0x1  }
0xc2: {  	_ =	sfence.sel $0xFFFF  }
0xc3: {  	[dreg:$0x0] =	wrdreg $0xFFFFFFFF;
	(pc) =	sbr.abs _section_cstart, $3  }
0xc4: {  	[dreg:$0x1] =	wrdreg $0xFFFFFFFF  }
0xc5: {  	_ =	task.clear_ibuf [dreg:s9], $0x2FFFF;
	_ =	strace $0x9FFFFFFF  }
0xc6: {  	(tm) =	ssettm $0x7FFFFFFF  }
0xc7: {  	_ =	shalt  }
tec
execute0_lowered:
.L_overlay_start_1:
0x0: {  	(tag) =	ssettag $0x1  }
0x1: {  	s2 =	rddreg [dreg:$0x1]  }
0x2: {  	s3 =	rddreg [dreg:$0x2]  }
0x3: {  	s4 =	rddreg [dreg:$0x3];
	s0 =	srdreg.scid  }
0x4: {  	s5 =	simm.s32 $0x0;
	s14 =	stileid.u32;
	s18 =	simm.s32 $0x400  }
0x5: {  	s19 =	simm.s32 $0x6;
	s20 =	simm.s32 $0x1;
	s21 =	simm.s32 $0x18700  }
0x6: {  	s22 =	simm.s32 $0x2;
	s23 =	simm.s32 $0x19700;
	s24 =	simm.s32 $0x1A700  }
0x7: {  	s25 =	simm.s32 $0x3;
	s28 =	simm.s32 $0x4;
	s29 =	simm.s32 $0x5  }
0x8: {  	s0 =	sand.u32 $0x1, s0;
	[smem:$0x7FF] =	sst s5;
	s8 =	sor.u32 $0x40, s14  }
0x9: {  	s9 =	sshll.u32 s14, $0xD;
	s26 =	sshrl.u32 s14, $0x3;
	s30 =	sshll.u32 s14, $0x7  }
0xa: {  	s12 =	sadd.s32 $0x200, s3;
	s31 =	sshll.u32 s14, $0x6;
	p0 =	sgt.u32 s14, $0x8  }
0xb: {  	s1 =	ssub.s32 $0x2, s0;
	_ =	strace $0x80000047;
	s7 =	smul.u32 $0xD, s0  }
0xc: {  	s10 =	sor.u32 $0x20000, s9;
	s0 =	smul.u32 $0xC3800, s26;
	s13 =	sadd.s32 s9, s4  }
0xd: {  	s14 =	sor.u32 $0x1C06, s31;
	s26 =	simm.s32 $0x1B700;
	s6 =	sshrl.u32 s1, $0x1  }
0xe: {  	s16 =	sadd.s32 s10, s4;
	s15 =	sshrl.u32 s13, $0x3;
	s1 =	ssub.s32 s1, s6  }
0xf: {  	s6 =	sand.u32 $0x380, s30;
	s16 =	sshrl.u32 @!p0 s16, $0x3;
	s1 =	smax.u32 s1, $0x1  }
0x10: {  	s11 =	sor.u32 s6, s0;
	[dreg:$0x5] =	wrdreg s1;
	s1 =	simm.s32 $0x0  }
.LBB2_1:
0x11: {  	[dreg:$0x6] =	wrdreg s1;
	s31 =	simm.s32 $0x0  }
.LBB2_2:
0x12: {  	s0 =	sadd.s32 s7, s31  }
0x13: {  	s1 =	smul.u32 $0x32000, s0;
	_ =	sdelay $0x1  }
0x14: {  	s30 =	smul.u32 $0x187000, s0;
	s6 =	sadd.s32 s9, s1;
	s1 =	sadd.s32 @!p0 s10, s1  }
0x15: {  	s6 =	sshrl.u32 s6, $0x3;
	s1 =	sshrl.u32 @!p0 s1, $0x3  }
0x16: {  	s13 =	sadd.s32 s11, s30;
	s6 =	sadd.s32 s2, s6;
	s1 =	sadd.s32 @!p0 s2, s1  }
0x17: {  	[spmem:s15], [sflag:s14] =	dma.local [hbm:s6], $0x400  }
0x18: {  	[spmem:s16], [sflag:s14] =	dma.local @!p0 [hbm:s1], $0x400  }
0x19: {  	s1 =	sshrl.u32 s13, $0x3;
	s17 =	rddreg [dreg:$0x0]  }
0x1a: {  	s30 =	simm.s32 $0x80;
	s1 =	sadd.s32 s17, s1  }
0x1b: {  	[tilespmem:s5], [sflag:$0x1] =	stream.strided.gather [hbm4b:s1+s30], $0x18700, s18, s30, $0x38;
	[tilespmem:$0x1F900] =	vst v63  }
0x1c: {  	_ =	swait.ge [sflag:s19], $0x400  }
0x1d: {  	[sflag:s19] =	ssyncset.done $0x0  }
0x1e: {  	s1 =	simm.s32 @!p0 $0x6;
	[sflag:s19] =	ssyncadd.s32 $0xFFFFFC00  }
0x1f: {  	_ =	swait.ge @!p0 [sflag:s1], $0x400  }
0x20: {  	[sflag:s1] =	ssyncset.done @!p0 $0x0  }
0x21: {  	[sflag:s1] =	ssyncadd.s32 @!p0 $0xFFFFFC00  }
0x22: {  	[bflag:$0x0] =	sbarrier.arrive $0xFFFF  }
0x23: {  	s0 =	sshll.u32 s0, $0x4;
	_ =	swait.ge [sflag:s20], $0x18700  }
0x24: {  	s0 =	sadd.s32 s8, s0;
	[sflag:s20] =	ssyncset.done $0x0  }
0x25: {  	s0 =	smul.u32 $0x32000, s0;
	s6 =	simm.s32 $0x0;
	[sflag:s20] =	ssyncadd.s32 $0xFFFE7900  }
0x26: {  	[tilespmem:s21], [sflag:$0x2] =	stream.linear.gather [spmem:s4], $0x1000, $0x38;
	[tilespmem:$0x1F900] =	vst v63  }
.LBB2_3:
0x27: {  	_ =	swait.ge [sflag:s22], $0x1000;
	s13 =	sshll.u32 s6, $0xD  }
0x28: {  	[sflag:s22] =	ssyncset.done $0x0;
	s1 =	sadd.s32 s13, s4  }
0x29: {  	p1 =	seq.s32 s6, $0x0;
	[sflag:s22] =	ssyncadd.s32 $0xFFFFF000;
	s1 =	sadd.s32 $0x1000, s1  }
0x2a: {  	[tilespmem:s23], [sflag:$0x3] =	stream.linear.gather [spmem:s1], $0x1000, $0x38;
	[tilespmem:$0x1F900] =	vst v63  }
0x2b: {  	s1 =	simm.s32 @!p1 $0x4  }
0x2c: {  	_ =	swait.ge @!p1 [sflag:s1], $0x1000  }
0x2d: {  	[sflag:s1] =	ssyncset.done @!p1 $0x0  }
0x2e: {  	s30 =	simm.s32 $0xFFFFFC00;
	[sflag:s1] =	ssyncadd.s32 @!p1 $0xFFFFF000  }
0x2f: {  	v0 =	vld [tilespmem:s30+$0x19740]  }
0x30: {  	v1 =	vld [tilespmem:s30+$0x18B20]  }
0x31: {  	v2 =	vld [tilespmem:s30+$0x18B10]  }
0x32: {  	v3 =	vld [tilespmem:s30+$0x18B00]  }
0x33: {  	v4 =	vld [tilespmem:s30+$0x19700]  }
0x34: {  	v5 =	vld [tilespmem:s30+$0x19340]  }
0x35: {  	v6 =	vld [tilespmem:s30+$0x19300]  }
0x36: {  	v7 =	vld [tilespmem:s30+$0x18B40]  }
0x37: {  	v8 =	vld [tilespmem:s30+$0x18B30]  }
0x38: {  	v9 =	vld [tilespmem:s30+$0x18F40]  }
0x39: {  	v10 =	vld [tilespmem:s30+$0x18F00]  }
0x3a: {  	v11 =	vld [tilespmem:s30+$0x18B50]  }
0x3b: {  	v12 =	vld [tilespmem:s30+$0x18B60]  }
0x3c: {  	v13 =	vld [tilespmem:s30+$0x18B70]  }
0x3d: {  	v3 =	vld.idx.msk [tilespmem:v3+s5+$0x0], $0xffff  }
0x3e: {  	v14 =	vld [tilespmem:s30+$0x18F20]  }
0x3f: {  	v2 =	vld.idx.msk [tilespmem:v2+s5+$0x0], $0xffff  }
0x40: {  	v63 =	vld [tilespmem:s30+$0x18F60]  }
0x41: {  	v1 =	vld.idx.msk [tilespmem:v1+s5+$0x0], $0xffff  }
0x42: {  	v8 =	vld.idx.msk [tilespmem:v8+s5+$0x0], $0xffff;
	[tilespmem:s30+$0x1AB00] =	vst v3  }
0x43: {  	v3 =	vld.idx.msk [tilespmem:v7+s5+$0x0], $0xffff  }
0x44: {  	[tilespmem:s30+$0x1AB10] =	vst v2;
	v2 =	vld [tilespmem:s30+$0x18F10]  }
0x45: {  	v7 =	vld [tilespmem:s30+$0x18F30]  }
0x46: {  	v11 =	vld.idx.msk [tilespmem:v11+s5+$0x0], $0xffff;
	[tilespmem:s30+$0x1AB20] =	vst v1  }
0x47: {  	v1 =	vld.idx.msk [tilespmem:v12+s5+$0x0], $0xffff;
	[tilespmem:s30+$0x1AB30] =	vst v8  }
0x48: {  	v8 =	vld.idx.msk [tilespmem:v13+s5+$0x0], $0xffff;
	[tilespmem:s30+$0x1AB40] =	vst v3  }
0x49: {  	v3 =	vld.idx.msk [tilespmem:v10+s5+$0x0], $0xffff  }
0x4a: {  	v10 =	vld [tilespmem:s30+$0x18F70]  }
0x4b: {  	[tilespmem:s30+$0x1AB50] =	vst v11;
	v11 =	vld [tilespmem:s30+$0x18F50]  }
0x4c: {  	v2 =	vld.idx.msk [tilespmem:v2+s5+$0x0], $0xffff;
	[tilespmem:s30+$0x1AB60] =	vst v1  }
0x4d: {  	v1 =	vld.idx.msk [tilespmem:v14+s5+$0x0], $0xffff  }
0x4e: {  	[tilespmem:s30+$0x1AB70] =	vst v8;
	v8 =	vld [tilespmem:s30+$0x19330]  }
0x4f: {  	v7 =	vld.idx.msk [tilespmem:v7+s5+$0x0], $0xffff;
	[tilespmem:s30+$0x1AF00] =	vst v3  }
0x50: {  	v3 =	vld.idx.msk [tilespmem:v9+s5+$0x0], $0xffff  }
0x51: {  	v9 =	vld [tilespmem:s30+$0x19320]  }
0x52: {  	[tilespmem:s30+$0x1AF10] =	vst v2;
	v2 =	vld [tilespmem:s30+$0x19310]  }
0x53: {  	v11 =	vld.idx.msk [tilespmem:v11+s5+$0x0], $0xffff;
	[tilespmem:s30+$0x1AF20] =	vst v1  }
0x54: {  	v1 =	vld.idx.msk [tilespmem:v63+s5+$0x0], $0xffff;
	[tilespmem:s30+$0x1AF30] =	vst v7  }
0x55: {  	v7 =	vld.idx.msk [tilespmem:v10+s5+$0x0], $0xffff  }
0x56: {  	v10 =	vld [tilespmem:s30+$0x19360];
	[tilespmem:s30+$0x1AF40] =	vst v3  }
0x57: {  	v3 =	vld.idx.msk [tilespmem:v6+s5+$0x0], $0xffff  }
0x58: {  	v6 =	vld [tilespmem:s30+$0x19370]  }
0x59: {  	[tilespmem:s30+$0x1AF50] =	vst v11;
	v11 =	vld [tilespmem:s30+$0x19350]  }
0x5a: {  	v2 =	vld.idx.msk [tilespmem:v2+s5+$0x0], $0xffff;
	[tilespmem:s30+$0x1AF60] =	vst v1  }
0x5b: {  	v1 =	vld.idx.msk [tilespmem:v9+s5+$0x0], $0xffff  }
0x5c: {  	[tilespmem:s30+$0x1AF70] =	vst v7;
	v9 =	vld [tilespmem:s30+$0x19720]  }
0x5d: {  	v7 =	vld.idx.msk [tilespmem:v8+s5+$0x0], $0xffff  }
0x5e: {  	[tilespmem:s30+$0x1B300] =	vst v3;
	v8 =	vld [tilespmem:s30+$0x19730]  }
0x5f: {  	v3 =	vld.idx.msk [tilespmem:v5+s5+$0x0], $0xffff  }
0x60: {  	[tilespmem:s30+$0x1B310] =	vst v2;
	v2 =	vld [tilespmem:s30+$0x19710]  }
0x61: {  	v5 =	vld.idx.msk [tilespmem:v11+s5+$0x0], $0xffff  }
0x62: {  	[tilespmem:s30+$0x1B320] =	vst v1;
	v1 =	vld [tilespmem:s30+$0x19770]  }
0x63: {  	v10 =	vld.idx.msk [tilespmem:v10+s5+$0x0], $0xffff;
	[tilespmem:s30+$0x1B330] =	vst v7  }
0x64: {  	v7 =	vld.idx.msk [tilespmem:v6+s5+$0x0], $0xffff;
	[tilespmem:s30+$0x1B340] =	vst v3  }
0x65: {  	v3 =	vld.idx.msk [tilespmem:v4+s5+$0x0], $0xffff  }
0x66: {  	v4 =	vld [tilespmem:s30+$0x19760]  }
0x67: {  	[tilespmem:s30+$0x1B350] =	vst v5;
	v5 =	vld [tilespmem:s30+$0x19750]  }
0x68: {  	v11 =	vld.idx.msk [tilespmem:v2+s5+$0x0], $0xffff;
	[tilespmem:s30+$0x1B360] =	vst v10  }
0x69: {  	v6 =	vld.idx.msk [tilespmem:v9+s5+$0x0], $0xffff;
	[tilespmem:s30+$0x1B370] =	vst v7  }
0x6a: {  	v7 =	vld.idx.msk [tilespmem:v8+s5+$0x0], $0xffff;
	[tilespmem:s30+$0x1B700] =	vst v3  }
0x6b: {  	s17 =	simm.s32 $0xFFFFFC80;
	v8 =	vld.idx.msk [tilespmem:v0+s5+$0x0], $0xffff  }
0x6c: {  	v0 =	vld [tilespmem:s17+$0x19740]  }
0x6d: {  	v2 =	vld [tilespmem:s17+$0x18B20]  }
0x6e: {  	s1 =	simm.s32 $0xFFFFF400;
	v3 =	vld [tilespmem:s17+$0x18B10];
	[tilespmem:s30+$0x1B710] =	vst v11  }
.LBB2_4:
0x6f: {  	p2 =	sne.s32 s1, $0xFFFFFE00;
	v5 =	vld.idx.msk [tilespmem:v5+s5+$0x0], $0xffff;
	[tilespmem:s30+$0x1B720] =	vst v6  }
0x70: {  	v4 =	vld.idx.msk [tilespmem:v4+s5+$0x0], $0xffff;
	[tilespmem:s30+$0x1B730] =	vst v7  }
0x71: {  	v1 =	vld.idx.msk [tilespmem:v1+s5+$0x0], $0xffff;
	[tilespmem:s30+$0x1B740] =	vst v8  }
0x72: {  	v6 =	vld [tilespmem:s17+$0x18B00]  }
0x73: {  	v7 =	vld [tilespmem:s17+$0x19700]  }
0x74: {  	v8 =	vld [tilespmem:s17+$0x19340]  }
0x75: {  	v9 =	vld [tilespmem:s17+$0x19300];
	[tilespmem:s30+$0x1B750] =	vst v5  }
0x76: {  	v5 =	vld [tilespmem:s17+$0x18B40];
	[tilespmem:s30+$0x1B760] =	vst v4  }
0x77: {  	v4 =	vld [tilespmem:s17+$0x18B30];
	[tilespmem:s30+$0x1B770] =	vst v1;
	s30 =	smov.u32 s17  }
0x78: {  	v1 =	vld.idx.msk [tilespmem:v2+s5+$0x0], $0xffff  }
0x79: {  	v2 =	vld.idx.msk [tilespmem:v3+s5+$0x0], $0xffff  }
0x7a: {  	v3 =	vld.idx.msk [tilespmem:v6+s5+$0x0], $0xffff  }
0x7b: {  	v6 =	vld [tilespmem:s30+$0x18F40]  }
0x7c: {  	v10 =	vld [tilespmem:s30+$0x18F00]  }
0x7d: {  	v11 =	vld [tilespmem:s30+$0x18B50]  }
0x7e: {  	v12 =	vld [tilespmem:s30+$0x18B60]  }
0x7f: {  	v13 =	vld [tilespmem:s30+$0x18B70]  }
0x80: {  	v4 =	vld.idx.msk [tilespmem:v4+s5+$0x0], $0xffff;
	[tilespmem:s30+$0x1AB00] =	vst v3  }
0x81: {  	v3 =	vld.idx.msk [tilespmem:v5+s5+$0x0], $0xffff  }
0x82: {  	v5 =	vld [tilespmem:s30+$0x18F30]  }
0x83: {  	v14 =	vld [tilespmem:s30+$0x18F20]  }
0x84: {  	[tilespmem:s30+$0x1AB10] =	vst v2;
	v2 =	vld [tilespmem:s30+$0x18F10]  }
0x85: {  	v11 =	vld.idx.msk [tilespmem:v11+s5+$0x0], $0xffff;
	[tilespmem:s30+$0x1AB20] =	vst v1  }
0x86: {  	v1 =	vld.idx.msk [tilespmem:v12+s5+$0x0], $0xffff;
	[tilespmem:s30+$0x1AB30] =	vst v4  }
0x87: {  	v4 =	vld.idx.msk [tilespmem:v13+s5+$0x0], $0xffff;
	[tilespmem:s30+$0x1AB40] =	vst v3  }
0x88: {  	v3 =	vld.idx.msk [tilespmem:v10+s5+$0x0], $0xffff  }
0x89: {  	v10 =	vld [tilespmem:s30+$0x18F70]  }
0x8a: {  	v12 =	vld [tilespmem:s30+$0x18F60]  }
0x8b: {  	[tilespmem:s30+$0x1AB50] =	vst v11;
	v11 =	vld [tilespmem:s30+$0x18F50]  }
0x8c: {  	v2 =	vld.idx.msk [tilespmem:v2+s5+$0x0], $0xffff;
	[tilespmem:s30+$0x1AB60] =	vst v1  }
0x8d: {  	v1 =	vld.idx.msk [tilespmem:v14+s5+$0x0], $0xffff;
	[tilespmem:s30+$0x1AB70] =	vst v4  }
0x8e: {  	v4 =	vld.idx.msk [tilespmem:v5+s5+$0x0], $0xffff;
	[tilespmem:s30+$0x1AF00] =	vst v3  }
0x8f: {  	v3 =	vld.idx.msk [tilespmem:v6+s5+$0x0], $0xffff  }
0x90: {  	v5 =	vld [tilespmem:s30+$0x19330]  }
0x91: {  	v6 =	vld [tilespmem:s30+$0x19320]  }
0x92: {  	[tilespmem:s30+$0x1AF10] =	vst v2;
	v2 =	vld [tilespmem:s30+$0x19310]  }
0x93: {  	v11 =	vld.idx.msk [tilespmem:v11+s5+$0x0], $0xffff;
	[tilespmem:s30+$0x1AF20] =	vst v1  }
0x94: {  	v1 =	vld.idx.msk [tilespmem:v12+s5+$0x0], $0xffff;
	[tilespmem:s30+$0x1AF30] =	vst v4  }
0x95: {  	v4 =	vld.idx.msk [tilespmem:v10+s5+$0x0], $0xffff;
	[tilespmem:s30+$0x1AF40] =	vst v3  }
0x96: {  	v3 =	vld.idx.msk [tilespmem:v9+s5+$0x0], $0xffff  }
0x97: {  	v9 =	vld [tilespmem:s30+$0x19370]  }
0x98: {  	v10 =	vld [tilespmem:s30+$0x19360]  }
0x99: {  	[tilespmem:s30+$0x1AF50] =	vst v11;
	v11 =	vld [tilespmem:s30+$0x19350]  }
0x9a: {  	v2 =	vld.idx.msk [tilespmem:v2+s5+$0x0], $0xffff;
	[tilespmem:s30+$0x1AF60] =	vst v1  }
0x9b: {  	v1 =	vld.idx.msk [tilespmem:v6+s5+$0x0], $0xffff;
	[tilespmem:s30+$0x1AF70] =	vst v4  }
0x9c: {  	v4 =	vld.idx.msk [tilespmem:v5+s5+$0x0], $0xffff;
	[tilespmem:s30+$0x1B300] =	vst v3  }
0x9d: {  	v3 =	vld.idx.msk [tilespmem:v8+s5+$0x0], $0xffff  }
0x9e: {  	v8 =	vld [tilespmem:s30+$0x19730]  }
0x9f: {  	v6 =	vld [tilespmem:s30+$0x19720]  }
0xa0: {  	[tilespmem:s30+$0x1B310] =	vst v2;
	v2 =	vld [tilespmem:s30+$0x19710]  }
0xa1: {  	v5 =	vld.idx.msk [tilespmem:v11+s5+$0x0], $0xffff;
	[tilespmem:s30+$0x1B320] =	vst v1  }
0xa2: {  	v10 =	vld.idx.msk [tilespmem:v10+s5+$0x0], $0xffff;
	[tilespmem:s30+$0x1B330] =	vst v4  }
0xa3: {  	v9 =	vld.idx.msk [tilespmem:v9+s5+$0x0], $0xffff;
	[tilespmem:s30+$0x1B340] =	vst v3  }
0xa4: {  	v3 =	vld.idx.msk [tilespmem:v7+s5+$0x0], $0xffff  }
0xa5: {  	v1 =	vld [tilespmem:s30+$0x19770]  }
0xa6: {  	v4 =	vld [tilespmem:s30+$0x19760]  }
0xa7: {  	[tilespmem:s30+$0x1B350] =	vst v5;
	v5 =	vld [tilespmem:s30+$0x19750]  }
0xa8: {  	v11 =	vld.idx.msk [tilespmem:v2+s5+$0x0], $0xffff;
	[tilespmem:s30+$0x1B360] =	vst v10  }
0xa9: {  	v6 =	vld.idx.msk [tilespmem:v6+s5+$0x0], $0xffff;
	[tilespmem:s30+$0x1B370] =	vst v9  }
.Ltmp0:
0xaa: {  	v7 =	vld.idx.msk [tilespmem:v8+s5+$0x0], $0xffff;
	[tilespmem:s30+$0x1B700] =	vst v3;
	(pc) =	sbr.rel @p2 .LBB2_4-.Ltmp0, $4  }
0xab: {  	s17 =	sshra.s32 s1, $0x2;
	v8 =	vld.idx.msk [tilespmem:v0+s5+$0x0], $0xffff  }
0xac: {  	v0 =	vld [tilespmem:s17+$0x19740]  }
0xad: {  	v2 =	vld [tilespmem:s17+$0x18B20]  }
0xae: {  	s1 =	sadd.s32 $0x200, s1;
	v3 =	vld [tilespmem:s17+$0x18B10];
	[tilespmem:s30+$0x1B710] =	vst v11  }
0xaf: {  	_ =	sdelay $0x3  }
0xb0: {  	v5 =	vld.idx.msk [tilespmem:v5+s5+$0x0], $0xffff;
	[tilespmem:s30+$0x1B720] =	vst v6  }
0xb1: {  	v4 =	vld.idx.msk [tilespmem:v4+s5+$0x0], $0xffff;
	[tilespmem:s30+$0x1B730] =	vst v7  }
0xb2: {  	v1 =	vld.idx.msk [tilespmem:v1+s5+$0x0], $0xffff;
	[tilespmem:s30+$0x1B740] =	vst v8  }
0xb3: {  	v6 =	vld [tilespmem:s17+$0x18B00]  }
0xb4: {  	v7 =	vld [tilespmem:s17+$0x19700]  }
0xb5: {  	v8 =	vld [tilespmem:s17+$0x19340]  }
0xb6: {  	v9 =	vld [tilespmem:s17+$0x19300];
	[tilespmem:s30+$0x1B750] =	vst v5  }
0xb7: {  	v5 =	vld [tilespmem:s17+$0x18B40];
	[tilespmem:s30+$0x1B760] =	vst v4  }
0xb8: {  	v4 =	vld [tilespmem:s17+$0x18B30];
	[tilespmem:s30+$0x1B770] =	vst v1  }
0xb9: {  	v1 =	vld.idx.msk [tilespmem:v2+s5+$0x0], $0xffff  }
0xba: {  	v2 =	vld.idx.msk [tilespmem:v3+s5+$0x0], $0xffff  }
0xbb: {  	v10 =	vld [tilespmem:s17+$0x18F00]  }
0xbc: {  	v11 =	vld [tilespmem:s17+$0x18B50]  }
0xbd: {  	v12 =	vld [tilespmem:s17+$0x18B60]  }
0xbe: {  	v3 =	vld.idx.msk [tilespmem:v6+s5+$0x0], $0xffff  }
0xbf: {  	v13 =	vld [tilespmem:s17+$0x18B70]  }
0xc0: {  	v14 =	vld [tilespmem:s17+$0x18F20]  }
0xc1: {  	v59 =	vld [tilespmem:s17+$0x18F60]  }
0xc2: {  	v6 =	vld [tilespmem:s17+$0x18F40]  }
0xc3: {  	v4 =	vld.idx.msk [tilespmem:v4+s5+$0x0], $0xffff;
	[tilespmem:s17+$0x1AB00] =	vst v3  }
0xc4: {  	v3 =	vld.idx.msk [tilespmem:v5+s5+$0x0], $0xffff  }
0xc5: {  	[tilespmem:s17+$0x1AB10] =	vst v2;
	v2 =	vld [tilespmem:s17+$0x18F10]  }
0xc6: {  	v5 =	vld [tilespmem:s17+$0x18F30]  }
0xc7: {  	v11 =	vld.idx.msk [tilespmem:v11+s5+$0x0], $0xffff;
	[tilespmem:s17+$0x1AB20] =	vst v1  }
0xc8: {  	v1 =	vld.idx.msk [tilespmem:v12+s5+$0x0], $0xffff;
	[tilespmem:s17+$0x1AB30] =	vst v4  }
0xc9: {  	v4 =	vld.idx.msk [tilespmem:v13+s5+$0x0], $0xffff;
	[tilespmem:s17+$0x1AB40] =	vst v3  }
0xca: {  	v3 =	vld.idx.msk [tilespmem:v10+s5+$0x0], $0xffff  }
0xcb: {  	v10 =	vld [tilespmem:s17+$0x18F70]  }
0xcc: {  	[tilespmem:s17+$0x1AB50] =	vst v11;
	v11 =	vld [tilespmem:s17+$0x18F50]  }
0xcd: {  	v2 =	vld.idx.msk [tilespmem:v2+s5+$0x0], $0xffff;
	[tilespmem:s17+$0x1AB60] =	vst v1  }
0xce: {  	v1 =	vld.idx.msk [tilespmem:v14+s5+$0x0], $0xffff;
	[tilespmem:s17+$0x1AB70] =	vst v4  }
0xcf: {  	v4 =	vld.idx.msk [tilespmem:v5+s5+$0x0], $0xffff  }
0xd0: {  	v5 =	vld [tilespmem:s17+$0x19330];
	[tilespmem:s17+$0x1AF00] =	vst v3  }
0xd1: {  	v3 =	vld.idx.msk [tilespmem:v6+s5+$0x0], $0xffff  }
0xd2: {  	v6 =	vld [tilespmem:s17+$0x19320]  }
0xd3: {  	[tilespmem:s17+$0x1AF10] =	vst v2;
	v2 =	vld [tilespmem:s17+$0x19310]  }
0xd4: {  	v11 =	vld.idx.msk [tilespmem:v11+s5+$0x0], $0xffff;
	[tilespmem:s17+$0x1AF20] =	vst v1  }
0xd5: {  	v1 =	vld.idx.msk [tilespmem:v59+s5+$0x0], $0xffff;
	[tilespmem:s17+$0x1AF30] =	vst v4  }
0xd6: {  	v4 =	vld.idx.msk [tilespmem:v10+s5+$0x0], $0xffff  }
0xd7: {  	v10 =	vld [tilespmem:s17+$0x19360];
	[tilespmem:s17+$0x1AF40] =	vst v3  }
0xd8: {  	v3 =	vld.idx.msk [tilespmem:v9+s5+$0x0], $0xffff  }
0xd9: {  	v9 =	vld [tilespmem:s17+$0x19370]  }
0xda: {  	[tilespmem:s17+$0x1AF50] =	vst v11;
	v11 =	vld [tilespmem:s17+$0x19350]  }
0xdb: {  	v2 =	vld.idx.msk [tilespmem:v2+s5+$0x0], $0xffff;
	[tilespmem:s17+$0x1AF60] =	vst v1  }
0xdc: {  	v1 =	vld.idx.msk [tilespmem:v6+s5+$0x0], $0xffff  }
0xdd: {  	[tilespmem:s17+$0x1AF70] =	vst v4;
	v6 =	vld [tilespmem:s17+$0x19720]  }
0xde: {  	v4 =	vld.idx.msk [tilespmem:v5+s5+$0x0], $0xffff  }
0xdf: {  	[tilespmem:s17+$0x1B300] =	vst v3;
	v5 =	vld [tilespmem:s17+$0x19730]  }
0xe0: {  	v3 =	vld.idx.msk [tilespmem:v8+s5+$0x0], $0xffff  }
0xe1: {  	[tilespmem:s17+$0x1B310] =	vst v2;
	v2 =	vld [tilespmem:s17+$0x19710]  }
0xe2: {  	v8 =	vld.idx.msk [tilespmem:v11+s5+$0x0], $0xffff;
	[tilespmem:s17+$0x1B320] =	vst v1  }
0xe3: {  	v1 =	vld.idx.msk [tilespmem:v10+s5+$0x0], $0xffff;
	[tilespmem:s17+$0x1B330] =	vst v4  }
0xe4: {  	v4 =	vld.idx.msk [tilespmem:v9+s5+$0x0], $0xffff  }
0xe5: {  	[tilespmem:s17+$0x1B340] =	vst v3;
	v9 =	vld [tilespmem:s17+$0x19760]  }
0xe6: {  	v3 =	vld.idx.msk [tilespmem:v7+s5+$0x0], $0xffff  }
0xe7: {  	[tilespmem:s17+$0x1B350] =	vst v8;
	v8 =	vld [tilespmem:s17+$0x19750]  }
0xe8: {  	v7 =	vld [tilespmem:s17+$0x19770]  }
0xe9: {  	v2 =	vld.idx.msk [tilespmem:v2+s5+$0x0], $0xffff;
	[tilespmem:s17+$0x1B360] =	vst v1  }
0xea: {  	v1 =	vld.idx.msk [tilespmem:v6+s5+$0x0], $0xffff;
	[tilespmem:s17+$0x1B370] =	vst v4  }
0xeb: {  	v4 =	vld.idx.msk [tilespmem:v5+s5+$0x0], $0xffff;
	_ =	sdelay $0x1  }
0xec: {  	[tilespmem:s17+$0x1B700] =	vst v3  }
0xed: {  	v0 =	vld.idx.msk [tilespmem:v0+s5+$0x0], $0xffff;
	[tilespmem:s17+$0x1B710] =	vst v2  }
0xee: {  	v2 =	vld.idx.msk [tilespmem:v8+s5+$0x0], $0xffff;
	[tilespmem:s17+$0x1B720] =	vst v1  }
0xef: {  	v1 =	vld.idx.msk [tilespmem:v9+s5+$0x0], $0xffff;
	[tilespmem:s17+$0x1B730] =	vst v4  }
0xf0: {  	v3 =	vld.idx.msk [tilespmem:v7+s5+$0x0], $0xffff;
	_ =	sdelay $0x1  }
0xf1: {  	[tilespmem:s17+$0x1B740] =	vst v0  }
0xf2: {  	s1 =	sadd.s32 s0, s13;
	[tilespmem:s17+$0x1B750] =	vst v2  }
0xf3: {  	s13 =	sshrl.u32 s1, $0x3;
	[tilespmem:s17+$0x1B760] =	vst v1  }
0xf4: {  	s6 =	sadd.s32 $0x1, s6;
	s1 =	sadd.s32 s3, s13;
	[tilespmem:s17+$0x1B770] =	vst v3  }
0xf5: {  	[hbm4b:s1+s5] =	stream.linear.scatter [tilespmem:s24], [sflag:$0x4], $0x1000, $0x38;
	[tilespmem:$0x1F900] =	vst v63  }
0xf6: {  	p2 =	slt.s32 s6, $0x18;
	s1 =	smov.u32 s6  }
0xf7: {  	s1 =	simm.s32 @!p2 $0x18  }
0xf8: {  	_ =	swait.ge [sflag:s25], $0x1000;
	s1 =	sshll.u32 s1, $0xD  }
0xf9: {  	[sflag:s25] =	ssyncset.done $0x0;
	s1 =	sand.u32 $0x3FFFE000, s1  }
0xfa: {  	[sflag:s25] =	ssyncadd.s32 $0xFFFFF000;
	s1 =	sadd.s32 s1, s4  }
0xfb: {  	[tilespmem:s21], [sflag:$0x2] =	stream.linear.gather [spmem:s1], $0x1000, $0x38;
	[tilespmem:$0x1F900] =	vst v63  }
0xfc: {  	s1 =	simm.s32 @!p1 $0x5  }
0xfd: {  	_ =	swait.ge @!p1 [sflag:s1], $0x1000  }
0xfe: {  	[sflag:s1] =	ssyncset.done @!p1 $0x0  }
0xff: {  	s30 =	simm.s32 $0xFFFFFC00;
	[sflag:s1] =	ssyncadd.s32 @!p1 $0xFFFFF000  }
0x100: {  	v0 =	vld [tilespmem:s30+$0x1A740]  }
0x101: {  	v1 =	vld [tilespmem:s30+$0x19B20]  }
0x102: {  	v2 =	vld [tilespmem:s30+$0x19B10]  }
0x103: {  	v3 =	vld [tilespmem:s30+$0x19B00]  }
0x104: {  	v4 =	vld [tilespmem:s30+$0x1A700]  }
0x105: {  	v5 =	vld [tilespmem:s30+$0x1A340]  }
0x106: {  	v6 =	vld [tilespmem:s30+$0x1A300]  }
0x107: {  	v7 =	vld [tilespmem:s30+$0x19B40]  }
0x108: {  	v8 =	vld [tilespmem:s30+$0x19B30]  }
0x109: {  	v9 =	vld [tilespmem:s30+$0x19F40]  }
0x10a: {  	v10 =	vld [tilespmem:s30+$0x19F00]  }
0x10b: {  	v11 =	vld [tilespmem:s30+$0x19B50]  }
0x10c: {  	v60 =	vld [tilespmem:s30+$0x19B60]  }
0x10d: {  	v61 =	vld [tilespmem:s30+$0x19B70]  }
0x10e: {  	v3 =	vld.idx.msk [tilespmem:v3+s5+$0x0], $0xffff  }
0x10f: {  	v62 =	vld [tilespmem:s30+$0x19F20]  }
0x110: {  	v2 =	vld.idx.msk [tilespmem:v2+s5+$0x0], $0xffff  }
0x111: {  	v63 =	vld [tilespmem:s30+$0x19F60]  }
0x112: {  	v1 =	vld.idx.msk [tilespmem:v1+s5+$0x0], $0xffff  }
0x113: {  	v8 =	vld.idx.msk [tilespmem:v8+s5+$0x0], $0xffff;
	[tilespmem:s30+$0x1BB00] =	vst v3  }
0x114: {  	v3 =	vld.idx.msk [tilespmem:v7+s5+$0x0], $0xffff  }
0x115: {  	[tilespmem:s30+$0x1BB10] =	vst v2;
	v2 =	vld [tilespmem:s30+$0x19F10]  }
0x116: {  	v7 =	vld [tilespmem:s30+$0x19F30]  }
0x117: {  	v11 =	vld.idx.msk [tilespmem:v11+s5+$0x0], $0xffff;
	[tilespmem:s30+$0x1BB20] =	vst v1  }
0x118: {  	v1 =	vld.idx.msk [tilespmem:v60+s5+$0x0], $0xffff;
	[tilespmem:s30+$0x1BB30] =	vst v8  }
0x119: {  	v8 =	vld.idx.msk [tilespmem:v61+s5+$0x0], $0xffff;
	[tilespmem:s30+$0x1BB40] =	vst v3  }
0x11a: {  	v3 =	vld.idx.msk [tilespmem:v10+s5+$0x0], $0xffff  }
0x11b: {  	v10 =	vld [tilespmem:s30+$0x19F70]  }
0x11c: {  	[tilespmem:s30+$0x1BB50] =	vst v11;
	v11 =	vld [tilespmem:s30+$0x19F50]  }
0x11d: {  	v2 =	vld.idx.msk [tilespmem:v2+s5+$0x0], $0xffff;
	[tilespmem:s30+$0x1BB60] =	vst v1  }
0x11e: {  	v1 =	vld.idx.msk [tilespmem:v62+s5+$0x0], $0xffff  }
0x11f: {  	[tilespmem:s30+$0x1BB70] =	vst v8;
	v8 =	vld [tilespmem:s30+$0x1A330]  }
0x120: {  	v7 =	vld.idx.msk [tilespmem:v7+s5+$0x0], $0xffff;
	[tilespmem:s30+$0x1BF00] =	vst v3  }
0x121: {  	v3 =	vld.idx.msk [tilespmem:v9+s5+$0x0], $0xffff  }
0x122: {  	v9 =	vld [tilespmem:s30+$0x1A320]  }
0x123: {  	[tilespmem:s30+$0x1BF10] =	vst v2;
	v2 =	vld [tilespmem:s30+$0x1A310]  }
0x124: {  	v11 =	vld.idx.msk [tilespmem:v11+s5+$0x0], $0xffff;
	[tilespmem:s30+$0x1BF20] =	vst v1  }
0x125: {  	v1 =	vld.idx.msk [tilespmem:v63+s5+$0x0], $0xffff;
	[tilespmem:s30+$0x1BF30] =	vst v7  }
0x126: {  	v7 =	vld.idx.msk [tilespmem:v10+s5+$0x0], $0xffff  }
0x127: {  	v10 =	vld [tilespmem:s30+$0x1A360];
	[tilespmem:s30+$0x1BF40] =	vst v3  }
0x128: {  	v3 =	vld.idx.msk [tilespmem:v6+s5+$0x0], $0xffff  }
0x129: {  	v6 =	vld [tilespmem:s30+$0x1A370]  }
0x12a: {  	[tilespmem:s30+$0x1BF50] =	vst v11;
	v11 =	vld [tilespmem:s30+$0x1A350]  }
0x12b: {  	v2 =	vld.idx.msk [tilespmem:v2+s5+$0x0], $0xffff;
	[tilespmem:s30+$0x1BF60] =	vst v1  }
0x12c: {  	v1 =	vld.idx.msk [tilespmem:v9+s5+$0x0], $0xffff  }
0x12d: {  	[tilespmem:s30+$0x1BF70] =	vst v7;
	v9 =	vld [tilespmem:s30+$0x1A720]  }
0x12e: {  	v7 =	vld.idx.msk [tilespmem:v8+s5+$0x0], $0xffff  }
0x12f: {  	[tilespmem:s30+$0x1C300] =	vst v3;
	v8 =	vld [tilespmem:s30+$0x1A730]  }
0x130: {  	v3 =	vld.idx.msk [tilespmem:v5+s5+$0x0], $0xffff  }
0x131: {  	[tilespmem:s30+$0x1C310] =	vst v2;
	v2 =	vld [tilespmem:s30+$0x1A710]  }
0x132: {  	v5 =	vld.idx.msk [tilespmem:v11+s5+$0x0], $0xffff  }
0x133: {  	[tilespmem:s30+$0x1C320] =	vst v1;
	v1 =	vld [tilespmem:s30+$0x1A770]  }
0x134: {  	v10 =	vld.idx.msk [tilespmem:v10+s5+$0x0], $0xffff;
	[tilespmem:s30+$0x1C330] =	vst v7  }
0x135: {  	v7 =	vld.idx.msk [tilespmem:v6+s5+$0x0], $0xffff;
	[tilespmem:s30+$0x1C340] =	vst v3  }
0x136: {  	v3 =	vld.idx.msk [tilespmem:v4+s5+$0x0], $0xffff  }
0x137: {  	v4 =	vld [tilespmem:s30+$0x1A760]  }
0x138: {  	[tilespmem:s30+$0x1C350] =	vst v5;
	v5 =	vld [tilespmem:s30+$0x1A750]  }
0x139: {  	v11 =	vld.idx.msk [tilespmem:v2+s5+$0x0], $0xffff;
	[tilespmem:s30+$0x1C360] =	vst v10  }
0x13a: {  	v6 =	vld.idx.msk [tilespmem:v9+s5+$0x0], $0xffff;
	[tilespmem:s30+$0x1C370] =	vst v7  }
0x13b: {  	v7 =	vld.idx.msk [tilespmem:v8+s5+$0x0], $0xffff;
	[tilespmem:s30+$0x1C700] =	vst v3  }
0x13c: {  	s17 =	simm.s32 $0xFFFFFC80;
	v8 =	vld.idx.msk [tilespmem:v0+s5+$0x0], $0xffff  }
0x13d: {  	v0 =	vld [tilespmem:s17+$0x1A740]  }
0x13e: {  	v2 =	vld [tilespmem:s17+$0x19B20]  }
0x13f: {  	s1 =	simm.s32 $0xFFFFF400;
	v3 =	vld [tilespmem:s17+$0x19B10];
	[tilespmem:s30+$0x1C710] =	vst v11  }
.LBB2_6:
0x140: {  	p1 =	sne.s32 s1, $0xFFFFFE00;
	v5 =	vld.idx.msk [tilespmem:v5+s5+$0x0], $0xffff;
	[tilespmem:s30+$0x1C720] =	vst v6  }
0x141: {  	v4 =	vld.idx.msk [tilespmem:v4+s5+$0x0], $0xffff;
	[tilespmem:s30+$0x1C730] =	vst v7  }
0x142: {  	v1 =	vld.idx.msk [tilespmem:v1+s5+$0x0], $0xffff;
	[tilespmem:s30+$0x1C740] =	vst v8  }
0x143: {  	v6 =	vld [tilespmem:s17+$0x19B00]  }
0x144: {  	v7 =	vld [tilespmem:s17+$0x1A700]  }
0x145: {  	v8 =	vld [tilespmem:s17+$0x1A340]  }
0x146: {  	v9 =	vld [tilespmem:s17+$0x1A300];
	[tilespmem:s30+$0x1C750] =	vst v5  }
0x147: {  	v5 =	vld [tilespmem:s17+$0x19B40];
	[tilespmem:s30+$0x1C760] =	vst v4  }
0x148: {  	v4 =	vld [tilespmem:s17+$0x19B30];
	[tilespmem:s30+$0x1C770] =	vst v1;
	s30 =	smov.u32 s17  }
0x149: {  	v1 =	vld.idx.msk [tilespmem:v2+s5+$0x0], $0xffff  }
0x14a: {  	v2 =	vld.idx.msk [tilespmem:v3+s5+$0x0], $0xffff  }
0x14b: {  	v3 =	vld.idx.msk [tilespmem:v6+s5+$0x0], $0xffff  }
0x14c: {  	v6 =	vld [tilespmem:s30+$0x19F40]  }
0x14d: {  	v10 =	vld [tilespmem:s30+$0x19F00]  }
0x14e: {  	v11 =	vld [tilespmem:s30+$0x19B50]  }
0x14f: {  	v12 =	vld [tilespmem:s30+$0x19B60]  }
0x150: {  	v13 =	vld [tilespmem:s30+$0x19B70]  }
0x151: {  	v4 =	vld.idx.msk [tilespmem:v4+s5+$0x0], $0xffff;
	[tilespmem:s30+$0x1BB00] =	vst v3  }
0x152: {  	v3 =	vld.idx.msk [tilespmem:v5+s5+$0x0], $0xffff  }
0x153: {  	v5 =	vld [tilespmem:s30+$0x19F30]  }
0x154: {  	v14 =	vld [tilespmem:s30+$0x19F20]  }
0x155: {  	[tilespmem:s30+$0x1BB10] =	vst v2;
	v2 =	vld [tilespmem:s30+$0x19F10]  }
0x156: {  	v11 =	vld.idx.msk [tilespmem:v11+s5+$0x0], $0xffff;
	[tilespmem:s30+$0x1BB20] =	vst v1  }
0x157: {  	v1 =	vld.idx.msk [tilespmem:v12+s5+$0x0], $0xffff;
	[tilespmem:s30+$0x1BB30] =	vst v4  }
0x158: {  	v4 =	vld.idx.msk [tilespmem:v13+s5+$0x0], $0xffff;
	[tilespmem:s30+$0x1BB40] =	vst v3  }
0x159: {  	v3 =	vld.idx.msk [tilespmem:v10+s5+$0x0], $0xffff  }
0x15a: {  	v10 =	vld [tilespmem:s30+$0x19F70]  }
0x15b: {  	v12 =	vld [tilespmem:s30+$0x19F60]  }
0x15c: {  	[tilespmem:s30+$0x1BB50] =	vst v11;
	v11 =	vld [tilespmem:s30+$0x19F50]  }
0x15d: {  	v2 =	vld.idx.msk [tilespmem:v2+s5+$0x0], $0xffff;
	[tilespmem:s30+$0x1BB60] =	vst v1  }
0x15e: {  	v1 =	vld.idx.msk [tilespmem:v14+s5+$0x0], $0xffff;
	[tilespmem:s30+$0x1BB70] =	vst v4  }
0x15f: {  	v4 =	vld.idx.msk [tilespmem:v5+s5+$0x0], $0xffff;
	[tilespmem:s30+$0x1BF00] =	vst v3  }
0x160: {  	v3 =	vld.idx.msk [tilespmem:v6+s5+$0x0], $0xffff  }
0x161: {  	v5 =	vld [tilespmem:s30+$0x1A330]  }
0x162: {  	v6 =	vld [tilespmem:s30+$0x1A320]  }
0x163: {  	[tilespmem:s30+$0x1BF10] =	vst v2;
	v2 =	vld [tilespmem:s30+$0x1A310]  }
0x164: {  	v11 =	vld.idx.msk [tilespmem:v11+s5+$0x0], $0xffff;
	[tilespmem:s30+$0x1BF20] =	vst v1  }
0x165: {  	v1 =	vld.idx.msk [tilespmem:v12+s5+$0x0], $0xffff;
	[tilespmem:s30+$0x1BF30] =	vst v4  }
0x166: {  	v4 =	vld.idx.msk [tilespmem:v10+s5+$0x0], $0xffff;
	[tilespmem:s30+$0x1BF40] =	vst v3  }
0x167: {  	v3 =	vld.idx.msk [tilespmem:v9+s5+$0x0], $0xffff  }
0x168: {  	v9 =	vld [tilespmem:s30+$0x1A370]  }
0x169: {  	v10 =	vld [tilespmem:s30+$0x1A360]  }
0x16a: {  	[tilespmem:s30+$0x1BF50] =	vst v11;
	v11 =	vld [tilespmem:s30+$0x1A350]  }
0x16b: {  	v2 =	vld.idx.msk [tilespmem:v2+s5+$0x0], $0xffff;
	[tilespmem:s30+$0x1BF60] =	vst v1  }
0x16c: {  	v1 =	vld.idx.msk [tilespmem:v6+s5+$0x0], $0xffff;
	[tilespmem:s30+$0x1BF70] =	vst v4  }
0x16d: {  	v4 =	vld.idx.msk [tilespmem:v5+s5+$0x0], $0xffff;
	[tilespmem:s30+$0x1C300] =	vst v3  }
0x16e: {  	v3 =	vld.idx.msk [tilespmem:v8+s5+$0x0], $0xffff  }
0x16f: {  	v8 =	vld [tilespmem:s30+$0x1A730]  }
0x170: {  	v6 =	vld [tilespmem:s30+$0x1A720]  }
0x171: {  	[tilespmem:s30+$0x1C310] =	vst v2;
	v2 =	vld [tilespmem:s30+$0x1A710]  }
0x172: {  	v5 =	vld.idx.msk [tilespmem:v11+s5+$0x0], $0xffff;
	[tilespmem:s30+$0x1C320] =	vst v1  }
0x173: {  	v10 =	vld.idx.msk [tilespmem:v10+s5+$0x0], $0xffff;
	[tilespmem:s30+$0x1C330] =	vst v4  }
0x174: {  	v9 =	vld.idx.msk [tilespmem:v9+s5+$0x0], $0xffff;
	[tilespmem:s30+$0x1C340] =	vst v3  }
0x175: {  	v3 =	vld.idx.msk [tilespmem:v7+s5+$0x0], $0xffff  }
0x176: {  	v1 =	vld [tilespmem:s30+$0x1A770]  }
0x177: {  	v4 =	vld [tilespmem:s30+$0x1A760]  }
0x178: {  	[tilespmem:s30+$0x1C350] =	vst v5;
	v5 =	vld [tilespmem:s30+$0x1A750]  }
0x179: {  	v11 =	vld.idx.msk [tilespmem:v2+s5+$0x0], $0xffff;
	[tilespmem:s30+$0x1C360] =	vst v10  }
0x17a: {  	v6 =	vld.idx.msk [tilespmem:v6+s5+$0x0], $0xffff;
	[tilespmem:s30+$0x1C370] =	vst v9  }
.Ltmp1:
0x17b: {  	v7 =	vld.idx.msk [tilespmem:v8+s5+$0x0], $0xffff;
	[tilespmem:s30+$0x1C700] =	vst v3;
	(pc) =	sbr.rel @p1 .LBB2_6-.Ltmp1, $4  }
0x17c: {  	s17 =	sshra.s32 s1, $0x2;
	v8 =	vld.idx.msk [tilespmem:v0+s5+$0x0], $0xffff  }
0x17d: {  	v0 =	vld [tilespmem:s17+$0x1A740]  }
0x17e: {  	v2 =	vld [tilespmem:s17+$0x19B20]  }
0x17f: {  	s1 =	sadd.s32 $0x200, s1;
	v3 =	vld [tilespmem:s17+$0x19B10];
	[tilespmem:s30+$0x1C710] =	vst v11  }
0x180: {  	_ =	sdelay $0x3  }
0x181: {  	v5 =	vld.idx.msk [tilespmem:v5+s5+$0x0], $0xffff;
	[tilespmem:s30+$0x1C720] =	vst v6  }
0x182: {  	v4 =	vld.idx.msk [tilespmem:v4+s5+$0x0], $0xffff;
	[tilespmem:s30+$0x1C730] =	vst v7  }
0x183: {  	v1 =	vld.idx.msk [tilespmem:v1+s5+$0x0], $0xffff;
	[tilespmem:s30+$0x1C740] =	vst v8  }
0x184: {  	v6 =	vld [tilespmem:s17+$0x19B00]  }
0x185: {  	v7 =	vld [tilespmem:s17+$0x1A700]  }
0x186: {  	v8 =	vld [tilespmem:s17+$0x1A340]  }
0x187: {  	v9 =	vld [tilespmem:s17+$0x1A300];
	[tilespmem:s30+$0x1C750] =	vst v5  }
0x188: {  	v5 =	vld [tilespmem:s17+$0x19B40];
	[tilespmem:s30+$0x1C760] =	vst v4  }
0x189: {  	v4 =	vld [tilespmem:s17+$0x19B30];
	[tilespmem:s30+$0x1C770] =	vst v1  }
0x18a: {  	v1 =	vld.idx.msk [tilespmem:v2+s5+$0x0], $0xffff  }
0x18b: {  	v43 =	vld.idx.msk [tilespmem:v3+s5+$0x0], $0xffff  }
0x18c: {  	v45 =	vld [tilespmem:s17+$0x19F40]  }
0x18d: {  	v10 =	vld [tilespmem:s17+$0x19F00]  }
0x18e: {  	v11 =	vld [tilespmem:s17+$0x19B50]  }
0x18f: {  	v12 =	vld [tilespmem:s17+$0x19B60]  }
0x190: {  	v13 =	vld [tilespmem:s17+$0x19B70]  }
0x191: {  	v46 =	vld [tilespmem:s17+$0x19F30]  }
0x192: {  	v14 =	vld [tilespmem:s17+$0x19F20]  }
0x193: {  	v47 =	vld [tilespmem:s17+$0x19F10]  }
0x194: {  	v48 =	vld [tilespmem:s17+$0x19F70]  }
0x195: {  	v44 =	vld.idx.msk [tilespmem:v6+s5+$0x0], $0xffff  }
0x196: {  	v49 =	vld [tilespmem:s17+$0x19F60]  }
0x197: {  	v50 =	vld [tilespmem:s17+$0x19F50]  }
0x198: {  	v4 =	vld.idx.msk [tilespmem:v4+s5+$0x0], $0xffff  }
0x199: {  	v51 =	vld [tilespmem:s17+$0x1A330]  }
0x19a: {  	v52 =	vld [tilespmem:s17+$0x1A320];
	[tilespmem:s17+$0x1BB00] =	vst v44  }
0x19b: {  	v3 =	vld.idx.msk [tilespmem:v5+s5+$0x0], $0xffff;
	[tilespmem:s17+$0x1BB10] =	vst v43  }
0x19c: {  	v11 =	vld.idx.msk [tilespmem:v11+s5+$0x0], $0xffff;
	[tilespmem:s17+$0x1BB20] =	vst v1  }
0x19d: {  	v1 =	vld.idx.msk [tilespmem:v12+s5+$0x0], $0xffff;
	[tilespmem:s17+$0x1BB30] =	vst v4  }
0x19e: {  	v4 =	vld.idx.msk [tilespmem:v13+s5+$0x0], $0xffff  }
0x19f: {  	v53 =	vld [tilespmem:s17+$0x1A310]  }
0x1a0: {  	v54 =	vld [tilespmem:s17+$0x1A370];
	[tilespmem:s17+$0x1BB40] =	vst v3  }
0x1a1: {  	v3 =	vld.idx.msk [tilespmem:v10+s5+$0x0], $0xffff;
	[tilespmem:s17+$0x1BB50] =	vst v11  }
0x1a2: {  	v2 =	vld.idx.msk [tilespmem:v47+s5+$0x0], $0xffff;
	[tilespmem:s17+$0x1BB60] =	vst v1  }
0x1a3: {  	v1 =	vld.idx.msk [tilespmem:v14+s5+$0x0], $0xffff;
	[tilespmem:s17+$0x1BB70] =	vst v4  }
0x1a4: {  	v4 =	vld.idx.msk [tilespmem:v46+s5+$0x0], $0xffff  }
0x1a5: {  	v55 =	vld [tilespmem:s17+$0x1A360]  }
0x1a6: {  	v56 =	vld [tilespmem:s17+$0x1A350];
	[tilespmem:s17+$0x1BF00] =	vst v3  }
0x1a7: {  	v3 =	vld.idx.msk [tilespmem:v45+s5+$0x0], $0xffff;
	[tilespmem:s17+$0x1BF10] =	vst v2  }
0x1a8: {  	v11 =	vld.idx.msk [tilespmem:v50+s5+$0x0], $0xffff;
	[tilespmem:s17+$0x1BF20] =	vst v1  }
0x1a9: {  	v1 =	vld.idx.msk [tilespmem:v49+s5+$0x0], $0xffff;
	[tilespmem:s17+$0x1BF30] =	vst v4  }
0x1aa: {  	v4 =	vld.idx.msk [tilespmem:v48+s5+$0x0], $0xffff  }
0x1ab: {  	v57 =	vld [tilespmem:s17+$0x1A730]  }
0x1ac: {  	v58 =	vld [tilespmem:s17+$0x1A720];
	[tilespmem:s17+$0x1BF40] =	vst v3  }
0x1ad: {  	v3 =	vld.idx.msk [tilespmem:v9+s5+$0x0], $0xffff;
	[tilespmem:s17+$0x1BF50] =	vst v11  }
0x1ae: {  	v2 =	vld.idx.msk [tilespmem:v53+s5+$0x0], $0xffff;
	[tilespmem:s17+$0x1BF60] =	vst v1  }
0x1af: {  	v1 =	vld.idx.msk [tilespmem:v52+s5+$0x0], $0xffff;
	[tilespmem:s17+$0x1BF70] =	vst v4  }
0x1b0: {  	v4 =	vld.idx.msk [tilespmem:v51+s5+$0x0], $0xffff  }
0x1b1: {  	v59 =	vld [tilespmem:s17+$0x1A710]  }
0x1b2: {  	v61 =	vld [tilespmem:s17+$0x1A770];
	[tilespmem:s17+$0x1C300] =	vst v3  }
0x1b3: {  	v3 =	vld.idx.msk [tilespmem:v8+s5+$0x0], $0xffff;
	[tilespmem:s17+$0x1C310] =	vst v2  }
0x1b4: {  	v60 =	vld.idx.msk [tilespmem:v56+s5+$0x0], $0xffff;
	[tilespmem:s17+$0x1C320] =	vst v1  }
0x1b5: {  	v1 =	vld.idx.msk [tilespmem:v55+s5+$0x0], $0xffff;
	[tilespmem:s17+$0x1C330] =	vst v4  }
0x1b6: {  	v4 =	vld.idx.msk [tilespmem:v54+s5+$0x0], $0xffff  }
0x1b7: {  	v62 =	vld [tilespmem:s17+$0x1A760]  }
0x1b8: {  	v63 =	vld [tilespmem:s17+$0x1A750];
	[tilespmem:s17+$0x1C340] =	vst v3  }
0x1b9: {  	v3 =	vld.idx.msk [tilespmem:v7+s5+$0x0], $0xffff;
	[tilespmem:s17+$0x1C350] =	vst v60  }
0x1ba: {  	v2 =	vld.idx.msk [tilespmem:v59+s5+$0x0], $0xffff;
	[tilespmem:s17+$0x1C360] =	vst v1  }
0x1bb: {  	v1 =	vld.idx.msk [tilespmem:v58+s5+$0x0], $0xffff;
	[tilespmem:s17+$0x1C370] =	vst v4  }
0x1bc: {  	v4 =	vld.idx.msk [tilespmem:v57+s5+$0x0], $0xffff;
	_ =	sdelay $0x1  }
0x1bd: {  	[tilespmem:s17+$0x1C700] =	vst v3  }
0x1be: {  	v0 =	vld.idx.msk [tilespmem:v0+s5+$0x0], $0xffff;
	[tilespmem:s17+$0x1C710] =	vst v2  }
0x1bf: {  	v2 =	vld.idx.msk [tilespmem:v63+s5+$0x0], $0xffff;
	[tilespmem:s17+$0x1C720] =	vst v1  }
0x1c0: {  	v1 =	vld.idx.msk [tilespmem:v62+s5+$0x0], $0xffff;
	[tilespmem:s17+$0x1C730] =	vst v4  }
0x1c1: {  	v3 =	vld.idx.msk [tilespmem:v61+s5+$0x0], $0xffff  }
0x1c2: {  	p1 =	sne.s32 s6, $0x19  }
.Ltmp2:
0x1c3: {  	[tilespmem:s17+$0x1C740] =	vst v0;
	(pc) =	sbr.rel @p1 .LBB2_3-.Ltmp2, $4  }
0x1c4: {  	[tilespmem:s17+$0x1C750] =	vst v2  }
0x1c5: {  	[tilespmem:s17+$0x1C760] =	vst v1  }
0x1c6: {  	s1 =	sadd.s32 s13, s12;
	[tilespmem:s17+$0x1C770] =	vst v3  }
0x1c7: {  	[hbm4b:s1+s5] =	stream.linear.scatter [tilespmem:s26], [sflag:$0x5], $0x1000, $0x38;
	[tilespmem:$0x1F900] =	vst v63  }
0x1c8: {  	_ =	swait.ge [sflag:s22], $0x1000  }
0x1c9: {  	[sflag:s22] =	ssyncset.done $0x0  }
0x1ca: {  	[sflag:s22] =	ssyncadd.s32 $0xFFFFF000  }
0x1cb: {  	_ =	swait.ge [sflag:s28], $0x1000  }
0x1cc: {  	s31 =	sadd.s32 $0x1, s31;
	[sflag:s28] =	ssyncset.done $0x0  }
0x1cd: {  	p1 =	sne.s32 s31, $0xD;
	[sflag:s28] =	ssyncadd.s32 $0xFFFFF000  }
.Ltmp3:
0x1ce: {  	_ =	swait.ge [sflag:s29], $0x1000;
	(pc) =	sbr.rel @p1 .LBB2_2-.Ltmp3, $3  }
0x1cf: {  	[sflag:s29] =	ssyncset.done $0x0  }
0x1d0: {  	[sflag:s29] =	ssyncadd.s32 $0xFFFFF000  }
0x1d1: {  	[bflag:$0x0] =	sbarrier.arrive $0xFFFF;
	_ =	sdelay $0x1  }
0x1d2: {  	s1 =	rddreg [dreg:$0x6]  }
0x1d3: {  	s0 =	rddreg [dreg:$0x5];
	s1 =	sadd.s32 $0x1, s1  }
0x1d4: {  	p1 =	sne.s32 s1, s0  }
.Ltmp4:
0x1d5: {  	_ = 	snop;
	(pc) =	sbr.rel @p1 .LBB2_1-.Ltmp4, $1  }
0x1d6: {  	_ =	sdelay $0x3  }
0x1d7: {  	_ =	sfence.sel $0x180000  }
0x1d8: {  	[bflag:$0x0] =	sbarrier.arrive $0xFFFF  }
0x1d9: {  	_ =	strace $0x90000047  }
0x1da: {  	s0 =	stileid.u32;
	[bflag:$0x2] =	sbarrier.arrive $0xFFFF  }
0x1db: {  	p0 =	sne.s32 s0, $0x0;
	s0 =	rddreg [dreg:$0x4]  }
0x1dc: {  	s0 =	sadd.s32 @!p0 $0x100000, s0  }
0x1dd: {  	[sflag:s0] =	ssyncadd.tile.s32 @!p0 $0x1;
	_ =	shalt  }
.Lfunc_end2:
_tile_overlayer_lowered:
.L_overlay_start_2:
0x1de: {  	(tag) =	ssettag $0x2  }
0x1df: {  	s0 =	rddreg [dreg:$0x0];
	s2 =	stileid.u32  }
0x1e0: {  	s1 =	rddreg [dreg:$0x1];
	p0 =	sne.s32 s2, $0x0  }
0x1e1: {  	s3 =	rddreg [dreg:$0x2];
	[bflag:$0x3] =	sbarrier.arrive $0xFFFF;
	s2 =	simm.s32 @!p0 $0x1C07  }
0x1e2: {  	[timem:s3], [sflag:s2] =	dma.local @!p0 [hbm:s0], s1  }
0x1e3: {  	s0 =	simm.s32 @!p0 $0x7  }
0x1e4: {  	_ =	swait.ge @!p0 [sflag:s0], s1  }
0x1e5: {  	s1 =	ssub.s32 @!p0 $0x0, s1;
	[sflag:s0] =	ssyncset.done @!p0 $0x0  }
0x1e6: {  	[sflag:s0] =	ssyncadd.s32 @!p0 s1  }
0x1e7: {  	[bflag:$0x3] =	sbarrier.arrive $0xFFFF  }
0x1e8: {  	_ =	shalt  }

</sc_bundles>
